<compile_context>
chip_gen: v7x
topology: tpu7x:2x2x1
jax: 0.10.2.dev20260603
libtpu: 0.0.44.dev20260713+nightly
codegen_flags: <defaults>
</compile_context>

<pallas_src>
import functools

import numpy as np

import jax
import jax.numpy as jnp
from jax import lax
from jax.experimental import pallas as pl
from jax.experimental.pallas import tpu as pltpu
from jax.experimental.pallas import tpu_sc as plsc

_EPS = 1e-6
_D0 = 2
_ROWS = 4096
_COLS = 4096
_NC = 2
_NS = 16
_TROWS = _D0 * _ROWS
_NW = _NC * _NS
_ROWS_PER_W = _TROWS // _NW
_CHUNK_ROWS = 4
_NCHUNK = _ROWS_PER_W // _CHUNK_ROWS
_LANES = 16
_INNER_UNROLL = 8

_LEVELS = list(range(15)) + [16, 17, 18, 20, 24]
_QTAB = np.array(
    [min(_LEVELS, key=lambda L, t=(k + 0.5) / 4.0: (abs(t - L), L)) / 32.0
     for k in range(128)], dtype=np.float32)


def _scale_body(a_ref, s_ref, p_ref):
    a = a_ref[0]
    sp = jnp.maximum(a, 0.0) + jnp.log1p(jnp.exp(-jnp.abs(a)))
    s = jnp.maximum(sp, _EPS)
    s_ref[...] = jnp.full((1, 1), s, jnp.float32)
    p_ref[...] = jnp.full((8, 128), 128.0 / s, jnp.float32)


def _compute_scale(alpha):
    a = alpha.reshape(1)
    s, p = pl.pallas_call(
        _scale_body,
        in_specs=[pl.BlockSpec(memory_space=pltpu.SMEM)],
        out_specs=[pl.BlockSpec((1, 1)), pl.BlockSpec((8, 128))],
        out_shape=[
            jax.ShapeDtypeStruct((1, 1), jnp.float32),
            jax.ShapeDtypeStruct((8, 128), jnp.float32),
        ],
    )(a)
    return s.reshape(()), p[0, :_LANES]


def _quant_vec(xv, inv4, tab):
    t4 = jnp.minimum(jnp.abs(xv) * inv4, 127.0)
    k = t4.astype(jnp.int32)
    q = plsc.load_gather(tab, [k])
    return jnp.where(xv < 0.0, -q, q)


def _sc_body(x_hbm, p_hbm, t_hbm, out_hbm, pv, tv, in0, in1, out0, out1,
             si0, si1, so0, so1):
    wid = lax.axis_index("s") * _NC + lax.axis_index("c")
    row_base = wid * _ROWS_PER_W
    pltpu.sync_copy(p_hbm, pv)
    pltpu.sync_copy(t_hbm, tv)
    inv4 = pv[...]

    inbufs = (in0, in1)
    outbufs = (out0, out1)
    isems = (si0, si1)
    osems = (so0, so1)

    def chunk_in(j, b):
        return pltpu.make_async_copy(
            x_hbm.at[pl.ds(row_base + j * _CHUNK_ROWS, _CHUNK_ROWS), :],
            inbufs[b], isems[b])

    def chunk_out(j, b):
        return pltpu.make_async_copy(
            outbufs[b],
            out_hbm.at[pl.ds(row_base + j * _CHUNK_ROWS, _CHUNK_ROWS), :],
            osems[b])

    chunk_in(0, 0).start()
    chunk_in(1, 1).start()

    def compute(b):
        ib = inbufs[b]
        ob = outbufs[b]

        for r in range(_CHUNK_ROWS):
            @plsc.parallel_loop(0, _COLS, step=_LANES, unroll=_INNER_UNROLL)
            def body(c, r=r):
                sl = pl.ds(c, _LANES)
                ob[r, sl] = _quant_vec(ib[r, sl], inv4, tv)

    def pair(p, _):
        j0 = p * 2
        for b in (0, 1):
            j = j0 + b
            chunk_in(j, b).wait()
            @pl.when(p > 0)
            def _():
                chunk_out(j - 2, b).wait()
            compute(b)
            chunk_out(j, b).start()
            @pl.when(j + 2 < _NCHUNK)
            def _():
                chunk_in(j + 2, b).start()
        return ()

    lax.fori_loop(0, _NCHUNK // 2, pair, (), unroll=False)
    chunk_out(_NCHUNK - 2, 0).wait()
    chunk_out(_NCHUNK - 1, 1).wait()


_sc_quant = functools.partial(
    pl.kernel,
    out_type=jax.ShapeDtypeStruct((_TROWS, _COLS), jnp.float32),
    mesh=plsc.VectorSubcoreMesh(core_axis_name="c", subcore_axis_name="s"),
    compiler_params=pltpu.CompilerParams(needs_layout_passes=False),
    scratch_types=[
        pltpu.VMEM((_LANES,), jnp.float32),
        pltpu.VMEM((128,), jnp.float32),
        pltpu.VMEM((_CHUNK_ROWS, _COLS), jnp.float32),
        pltpu.VMEM((_CHUNK_ROWS, _COLS), jnp.float32),
        pltpu.VMEM((_CHUNK_ROWS, _COLS), jnp.float32),
        pltpu.VMEM((_CHUNK_ROWS, _COLS), jnp.float32),
        pltpu.SemaphoreType.DMA,
        pltpu.SemaphoreType.DMA,
        pltpu.SemaphoreType.DMA,
        pltpu.SemaphoreType.DMA,
    ],
)(_sc_body)


def kernel(x, alpha):
    s, p = _compute_scale(alpha)
    out = _sc_quant(x.reshape(_TROWS, _COLS), p, jnp.asarray(_QTAB))
    return out.reshape(x.shape), s

# --- scband reference (transcript-rebuilt; emitter-appended) ---
"""Pipeline reference for scband-quantizer-40810779247499 (READ-ONLY COPY).

The authoritative reference and input builder live on the scoring server;
editing this copy changes nothing except your own understanding.
"""

import jax, jax.numpy as jnp
import numpy as np
import math
from itertools import combinations_with_replacement

BIT = 4

def _choose_num_terms(bit):
    choices_len = bit + 1
    target_levels = 2 ** bit
    for k in range(1, bit + 1):
        if math.comb(choices_len + k - 1, k) >= target_levels:
            return k
    return bit

NUM_TERMS = _choose_num_terms(BIT)
SHIFT_START = 0 if NUM_TERMS <= 1 else math.ceil(math.log2(NUM_TERMS))
SCALE_DEN = 2 ** (SHIFT_START + BIT - 1)
_int_choices = [0] + [1 << (BIT - i) for i in range(1, BIT + 1)]
_seen = {}
for _combo in combinations_with_replacement(range(BIT + 1), NUM_TERMS):
    _t = sum(_int_choices[i] for i in _combo)
    if _t not in _seen:
        _seen[_t] = _combo
_levels = np.array(sorted(_seen.keys()), dtype=np.float32) / float(SCALE_DEN)
CODEBOOK = jnp.asarray(_levels)
EPS = 1e-06


def setup_inputs(seed: int = 0) -> dict:
    key = jax.random.key(seed)
    x = jax.random.normal(key, (2, 4096, 4096), dtype=jnp.float32)
    alpha = jnp.asarray(2.5, dtype=jnp.float32)
    return {"x": x, "alpha": alpha}


def reference(x, alpha):
    # alpha -> softplus -> clamp(min=eps)
    a = jax.nn.softplus(alpha).astype(x.dtype)
    scale = jnp.maximum(a, jnp.asarray(EPS, dtype=a.dtype))
    # signed clipping
    x_clipped = jnp.clip(x, -scale, scale)
    norm = x_clipped / scale
    sign = jnp.sign(norm)
    magnitude = jnp.abs(norm)
    # nearest positive codebook entry via searchsorted (== torch.bucketize right=False)
    codebook = CODEBOOK.astype(x.dtype)
    flat = magnitude.reshape(-1)
    K = codebook.shape[0]
    idx = jnp.searchsorted(codebook, flat, side='left')
    idx_hi = jnp.clip(idx, 0, K - 1)
    idx_lo = jnp.clip(idx - 1, 0, K - 1)
    hi_vals = jnp.take(codebook, idx_hi)
    lo_vals = jnp.take(codebook, idx_lo)
    choose_hi = (flat - lo_vals) > (hi_vals - flat)
    nearest = jnp.where(choose_hi, idx_hi, idx_lo)
    mag_quant = jnp.take(codebook, nearest).reshape(magnitude.shape)
    norm_quant = sign * mag_quant
    # straight-through estimator
    norm_out = norm + jax.lax.stop_gradient(norm_quant - norm)
    return (norm_out, jax.lax.stop_gradient(scale))

if __name__ == "__main__":
    import jax
    _d = setup_inputs()
    print(jax.jit(kernel)(*tuple(_d.values())))

</pallas_src>

<mosaic_0001>
#map = affine_map<(d0, d1) -> (0, 0)>
#map1 = affine_map<(d0, d1) -> (0)>
module attributes {stable_mosaic.version = 14 : i64} {
  func.func @_sc_body(%arg0: i32, %arg1: i32, %arg2: memref<8192x4096xf32, #tpu.memory_space<hbm>>, %arg3: memref<16xf32, #tpu.memory_space<hbm>>, %arg4: memref<128xf32, #tpu.memory_space<hbm>>, %arg5: memref<8192x4096xf32, #tpu.memory_space<hbm>>, %arg6: memref<16xf32, #tpu.memory_space<vmem>>, %arg7: memref<128xf32, #tpu.memory_space<vmem>>, %arg8: memref<4x4096xf32, #tpu.memory_space<vmem>>, %arg9: memref<4x4096xf32, #tpu.memory_space<vmem>>, %arg10: memref<4x4096xf32, #tpu.memory_space<vmem>>, %arg11: memref<4x4096xf32, #tpu.memory_space<vmem>>, %arg12: memref<!tpu.dma_semaphore, #tpu.memory_space<semaphore_mem>>, %arg13: memref<!tpu.dma_semaphore, #tpu.memory_space<semaphore_mem>>, %arg14: memref<!tpu.dma_semaphore, #tpu.memory_space<semaphore_mem>>, %arg15: memref<!tpu.dma_semaphore, #tpu.memory_space<semaphore_mem>>) attributes {dimension_semantics = [#tpu.dimension_semantics<core_parallel>, #tpu.dimension_semantics<subcore_parallel>], iteration_bounds = array<i64: 2, 16>, scalar_prefetch = 0 : i64, scratch_operands = 10 : i64, tpu.core_type = #tpu.core_type<sc_vector_subcore>, window_params = [{transform_indices = #map}, {transform_indices = #map1}, {transform_indices = #map1}, {transform_indices = #map}]} {
    %mul3A = arith.constant 2 : i32
    %mul3A_0 = arith.muli %arg1, %mul3A : i32
    %add3A = arith.addi %mul3A_0, %arg0 : i32
    %mul3A_1 = arith.constant 256 : i32
    %mul3A_2 = arith.muli %add3A, %mul3A_1 : i32
    "tpu.region"() ({
      %run_scoped3A = tpu.sem_alloc : memref<!tpu.dma_semaphore, #tpu.memory_space<semaphore_mem>>
      tpu.enqueue_dma source(%arg3 : memref<16xf32, #tpu.memory_space<hbm>>) target(%arg6 : memref<16xf32, #tpu.memory_space<vmem>>) target_semaphore(%run_scoped3A : memref<!tpu.dma_semaphore, #tpu.memory_space<semaphore_mem>>)
      tpu.wait_dma2 semaphore(%run_scoped3A : memref<!tpu.dma_semaphore, #tpu.memory_space<semaphore_mem>>) src(%arg3 : memref<16xf32, #tpu.memory_space<hbm>>) dst(%arg6 : memref<16xf32, #tpu.memory_space<vmem>>)
      tpu.yield
    }) : () -> ()
    "tpu.region"() ({
      %run_scoped3A = tpu.sem_alloc : memref<!tpu.dma_semaphore, #tpu.memory_space<semaphore_mem>>
      tpu.enqueue_dma source(%arg4 : memref<128xf32, #tpu.memory_space<hbm>>) target(%arg7 : memref<128xf32, #tpu.memory_space<vmem>>) target_semaphore(%run_scoped3A : memref<!tpu.dma_semaphore, #tpu.memory_space<semaphore_mem>>)
      tpu.wait_dma2 semaphore(%run_scoped3A : memref<!tpu.dma_semaphore, #tpu.memory_space<semaphore_mem>>) src(%arg4 : memref<128xf32, #tpu.memory_space<hbm>>) dst(%arg7 : memref<128xf32, #tpu.memory_space<vmem>>)
      tpu.yield
    }) : () -> ()
    %get3A = arith.constant 0 : index
    %get3A_3 = tpu.vector_load %arg6[%get3A] {strides = array<i32>} : memref<16xf32, #tpu.memory_space<vmem>>, vector<16xf32>,
    %add3A_4 = arith.constant 0 : i32
    %add3A_5 = arith.addi %mul3A_2, %add3A_4 : i32
    %dma_start3A = arith.constant 0 : i32
    %dma_start3A_6 = tpu.memref_slice %arg2[%add3A_5, %dma_start3A] : memref<8192x4096xf32, #tpu.memory_space<hbm>> -> memref<4x4096xf32, #tpu.memory_space<hbm>>
    %dma_start3A_7 = arith.constant 0 : i32
    %dma_start3A_8 = tpu.memref_slice %arg2[%add3A_5, %dma_start3A_7] : memref<8192x4096xf32, #tpu.memory_space<hbm>> -> memref<4x4096xf32, #tpu.memory_space<hbm>>
    tpu.enqueue_dma source(%dma_start3A_8 : memref<4x4096xf32, #tpu.memory_space<hbm>>) target(%arg8 : memref<4x4096xf32, #tpu.memory_space<vmem>>) target_semaphore(%arg12 : memref<!tpu.dma_semaphore, #tpu.memory_space<semaphore_mem>>)
    %add3A_9 = arith.constant 4 : i32
    %add3A_10 = arith.addi %mul3A_2, %add3A_9 : i32
    %dma_start3A_11 = arith.constant 0 : i32
    %dma_start3A_12 = tpu.memref_slice %arg2[%add3A_10, %dma_start3A_11] : memref<8192x4096xf32, #tpu.memory_space<hbm>> -> memref<4x4096xf32, #tpu.memory_space<hbm>>
    %dma_start3A_13 = arith.constant 0 : i32
    %dma_start3A_14 = tpu.memref_slice %arg2[%add3A_10, %dma_start3A_13] : memref<8192x4096xf32, #tpu.memory_space<hbm>> -> memref<4x4096xf32, #tpu.memory_space<hbm>>
    tpu.enqueue_dma source(%dma_start3A_14 : memref<4x4096xf32, #tpu.memory_space<hbm>>) target(%arg9 : memref<4x4096xf32, #tpu.memory_space<vmem>>) target_semaphore(%arg13 : memref<!tpu.dma_semaphore, #tpu.memory_space<semaphore_mem>>)
    %scan3A = arith.constant 0 : i32
    %scan3A_15 = arith.constant 32 : i32
    %scan3A_16 = arith.addi %scan3A, %scan3A_15 : i32
    %scan3A_17 = arith.constant 1 : i32
    scf.for %scan3A_30 = %scan3A to %scan3A_16 step %scan3A_17  : i32 {
      %mul3A_31 = arith.constant 2 : i32
      %mul3A_32 = arith.muli %scan3A_30, %mul3A_31 : i32
      %add3A_33 = arith.constant 0 : i32
      %add3A_34 = arith.addi %mul3A_32, %add3A_33 : i32
      %mul3A_35 = arith.constant 4 : i32
      %mul3A_36 = arith.muli %add3A_34, %mul3A_35 : i32
      %add3A_37 = arith.addi %mul3A_2, %mul3A_36 : i32
      %dma_wait3A_38 = arith.constant 0 : i32
      %dma_wait3A_39 = tpu.memref_slice %arg2[%add3A_37, %dma_wait3A_38] : memref<8192x4096xf32, #tpu.memory_space<hbm>> -> memref<4x4096xf32, #tpu.memory_space<hbm>>
      %dma_wait3A_40 = arith.constant 0 : i32
      %dma_wait3A_41 = tpu.memref_slice %arg2[%add3A_37, %dma_wait3A_40] : memref<8192x4096xf32, #tpu.memory_space<hbm>> -> memref<4x4096xf32, #tpu.memory_space<hbm>>
      tpu.wait_dma2 semaphore(%arg12 : memref<!tpu.dma_semaphore, #tpu.memory_space<semaphore_mem>>) src(%dma_wait3A_41 : memref<4x4096xf32, #tpu.memory_space<hbm>>) dst(%arg8 : memref<4x4096xf32, #tpu.memory_space<vmem>>)
      %gt3A = arith.constant 0 : i32
      %gt3A_42 = arith.cmpi sgt, %scan3A_30, %gt3A : i32
      %convert_element_type3A = arith.extui %gt3A_42 : i1 to i32
      %cond3A = arith.constant 0 : i32
      %cond3A_43 = arith.cmpi ne, %convert_element_type3A, %cond3A : i32
      scf.if %cond3A_43 {
        %sub3A = arith.constant 2 : i32
        %sub3A_108 = arith.subi %add3A_34, %sub3A : i32
        %mul3A_109 = arith.constant 4 : i32
        %mul3A_110 = arith.muli %sub3A_108, %mul3A_109 : i32
        %add3A_111 = arith.addi %mul3A_2, %mul3A_110 : i32
        %dma_wait3A_112 = arith.constant 0 : i32
        %dma_wait3A_113 = tpu.memref_slice %arg5[%add3A_111, %dma_wait3A_112] : memref<8192x4096xf32, #tpu.memory_space<hbm>> -> memref<4x4096xf32, #tpu.memory_space<hbm>>
        %dma_wait3A_114 = arith.constant 0 : i32
        %dma_wait3A_115 = tpu.memref_slice %arg5[%add3A_111, %dma_wait3A_114] : memref<8192x4096xf32, #tpu.memory_space<hbm>> -> memref<4x4096xf32, #tpu.memory_space<hbm>>
        tpu.wait_dma2 semaphore(%arg14 : memref<!tpu.dma_semaphore, #tpu.memory_space<semaphore_mem>>) src(%arg10 : memref<4x4096xf32, #tpu.memory_space<vmem>>) dst(%dma_wait3A_115 : memref<4x4096xf32, #tpu.memory_space<hbm>>)
      } else {
      }
      %parallel_loop3A = arith.constant 0 : i32
      %parallel_loop3A_44 = arith.constant 4096 : i32
      %parallel_loop3A_45 = arith.constant 16 : i32
      scf.for %parallel_loop3A_108 = %parallel_loop3A to %parallel_loop3A_44 step %parallel_loop3A_45  : i32 {
        %parallel_loop3A_109 = arith.constant 0 : i32
        %parallel_loop3A_110 = arith.index_cast %parallel_loop3A_109 : i32 to index
        %parallel_loop3A_111 = arith.index_cast %parallel_loop3A_108 : i32 to index
        %parallel_loop3A_112 = tpu.vector_load %arg8[%parallel_loop3A_110, %parallel_loop3A_111] {strides = array<i32>} : memref<4x4096xf32, #tpu.memory_space<vmem>>, vector<16xf32>,
        %parallel_loop3A_113 = math.absf %parallel_loop3A_112 : vector<16xf32>
        %parallel_loop3A_114 = arith.mulf %parallel_loop3A_113, %get3A_3 : vector<16xf32>
        %parallel_loop3A_115 = arith.constant 1.270000e+02 : f32
        %parallel_loop3A_116 = vector.broadcast %parallel_loop3A_115 : f32 to vector<16xf32>
        %parallel_loop3A_117 = arith.minimumf %parallel_loop3A_114, %parallel_loop3A_116 : vector<16xf32>
        %parallel_loop3A_118 = arith.fptosi %parallel_loop3A_117 : vector<16xf32> to vector<16xi32>
        %parallel_loop3A_119 = tpu.vector_load_idx %arg7[%parallel_loop3A_118] : memref<128xf32, #tpu.memory_space<vmem>>[vector<16xi32>], vector<16xf32>,
        %parallel_loop3A_120 = arith.constant 0.000000e+00 : f32
        %parallel_loop3A_121 = vector.broadcast %parallel_loop3A_120 : f32 to vector<16xf32>
        %parallel_loop3A_122 = arith.cmpf olt, %parallel_loop3A_112, %parallel_loop3A_121 : vector<16xf32>
        %parallel_loop3A_123 = arith.constant 0.000000e+00 : f32
        %parallel_loop3A_124 = vector.broadcast %parallel_loop3A_123 : f32 to vector<16xf32>
        %parallel_loop3A_125 = arith.subf %parallel_loop3A_124, %parallel_loop3A_119 : vector<16xf32>
        %parallel_loop3A_126 = arith.select %parallel_loop3A_122, %parallel_loop3A_125, %parallel_loop3A_119 : vector<16xi1>, vector<16xf32>
        %parallel_loop3A_127 = arith.constant 0 : i32
        %parallel_loop3A_128 = arith.index_cast %parallel_loop3A_127 : i32 to index
        %parallel_loop3A_129 = arith.index_cast %parallel_loop3A_108 : i32 to index
        %parallel_loop3A_130 = tpu.vector_load %arg10[%parallel_loop3A_128, %parallel_loop3A_129] {strides = array<i32>} : memref<4x4096xf32, #tpu.memory_space<vmem>>, vector<16xf32>,
        tpu.vector_store %arg10[%parallel_loop3A_128, %parallel_loop3A_129], %parallel_loop3A_126 {strides = array<i32>} : memref<4x4096xf32, #tpu.memory_space<vmem>>, vector<16xf32>,
      } {sc.loop_unroll_factor = 8 : i64, sc.parallel_access}
      %parallel_loop3A_46 = arith.constant 0 : i32
      %parallel_loop3A_47 = arith.constant 4096 : i32
      %parallel_loop3A_48 = arith.constant 16 : i32
      scf.for %parallel_loop3A_108 = %parallel_loop3A_46 to %parallel_loop3A_47 step %parallel_loop3A_48  : i32 {
        %parallel_loop3A_109 = arith.constant 1 : i32
        %parallel_loop3A_110 = arith.index_cast %parallel_loop3A_109 : i32 to index
        %parallel_loop3A_111 = arith.index_cast %parallel_loop3A_108 : i32 to index
        %parallel_loop3A_112 = tpu.vector_load %arg8[%parallel_loop3A_110, %parallel_loop3A_111] {strides = array<i32>} : memref<4x4096xf32, #tpu.memory_space<vmem>>, vector<16xf32>,
        %parallel_loop3A_113 = math.absf %parallel_loop3A_112 : vector<16xf32>
        %parallel_loop3A_114 = arith.mulf %parallel_loop3A_113, %get3A_3 : vector<16xf32>
        %parallel_loop3A_115 = arith.constant 1.270000e+02 : f32
        %parallel_loop3A_116 = vector.broadcast %parallel_loop3A_115 : f32 to vector<16xf32>
        %parallel_loop3A_117 = arith.minimumf %parallel_loop3A_114, %parallel_loop3A_116 : vector<16xf32>
        %parallel_loop3A_118 = arith.fptosi %parallel_loop3A_117 : vector<16xf32> to vector<16xi32>
        %parallel_loop3A_119 = tpu.vector_load_idx %arg7[%parallel_loop3A_118] : memref<128xf32, #tpu.memory_space<vmem>>[vector<16xi32>], vector<16xf32>,
        %parallel_loop3A_120 = arith.constant 0.000000e+00 : f32
        %parallel_loop3A_121 = vector.broadcast %parallel_loop3A_120 : f32 to vector<16xf32>
        %parallel_loop3A_122 = arith.cmpf olt, %parallel_loop3A_112, %parallel_loop3A_121 : vector<16xf32>
        %parallel_loop3A_123 = arith.constant 0.000000e+00 : f32
        %parallel_loop3A_124 = vector.broadcast %parallel_loop3A_123 : f32 to vector<16xf32>
        %parallel_loop3A_125 = arith.subf %parallel_loop3A_124, %parallel_loop3A_119 : vector<16xf32>
        %parallel_loop3A_126 = arith.select %parallel_loop3A_122, %parallel_loop3A_125, %parallel_loop3A_119 : vector<16xi1>, vector<16xf32>
        %parallel_loop3A_127 = arith.constant 1 : i32
        %parallel_loop3A_128 = arith.index_cast %parallel_loop3A_127 : i32 to index
        %parallel_loop3A_129 = arith.index_cast %parallel_loop3A_108 : i32 to index
        %parallel_loop3A_130 = tpu.vector_load %arg10[%parallel_loop3A_128, %parallel_loop3A_129] {strides = array<i32>} : memref<4x4096xf32, #tpu.memory_space<vmem>>, vector<16xf32>,
        tpu.vector_store %arg10[%parallel_loop3A_128, %parallel_loop3A_129], %parallel_loop3A_126 {strides = array<i32>} : memref<4x4096xf32, #tpu.memory_space<vmem>>, vector<16xf32>,
      } {sc.loop_unroll_factor = 8 : i64, sc.parallel_access}
      %parallel_loop3A_49 = arith.constant 0 : i32
      %parallel_loop3A_50 = arith.constant 4096 : i32
      %parallel_loop3A_51 = arith.constant 16 : i32
      scf.for %parallel_loop3A_108 = %parallel_loop3A_49 to %parallel_loop3A_50 step %parallel_loop3A_51  : i32 {
        %parallel_loop3A_109 = arith.constant 2 : i32
        %parallel_loop3A_110 = arith.index_cast %parallel_loop3A_109 : i32 to index
        %parallel_loop3A_111 = arith.index_cast %parallel_loop3A_108 : i32 to index
        %parallel_loop3A_112 = tpu.vector_load %arg8[%parallel_loop3A_110, %parallel_loop3A_111] {strides = array<i32>} : memref<4x4096xf32, #tpu.memory_space<vmem>>, vector<16xf32>,
        %parallel_loop3A_113 = math.absf %parallel_loop3A_112 : vector<16xf32>
        %parallel_loop3A_114 = arith.mulf %parallel_loop3A_113, %get3A_3 : vector<16xf32>
        %parallel_loop3A_115 = arith.constant 1.270000e+02 : f32
        %parallel_loop3A_116 = vector.broadcast %parallel_loop3A_115 : f32 to vector<16xf32>
        %parallel_loop3A_117 = arith.minimumf %parallel_loop3A_114, %parallel_loop3A_116 : vector<16xf32>
        %parallel_loop3A_118 = arith.fptosi %parallel_loop3A_117 : vector<16xf32> to vector<16xi32>
        %parallel_loop3A_119 = tpu.vector_load_idx %arg7[%parallel_loop3A_118] : memref<128xf32, #tpu.memory_space<vmem>>[vector<16xi32>], vector<16xf32>,
        %parallel_loop3A_120 = arith.constant 0.000000e+00 : f32
        %parallel_loop3A_121 = vector.broadcast %parallel_loop3A_120 : f32 to vector<16xf32>
        %parallel_loop3A_122 = arith.cmpf olt, %parallel_loop3A_112, %parallel_loop3A_121 : vector<16xf32>
        %parallel_loop3A_123 = arith.constant 0.000000e+00 : f32
        %parallel_loop3A_124 = vector.broadcast %parallel_loop3A_123 : f32 to vector<16xf32>
        %parallel_loop3A_125 = arith.subf %parallel_loop3A_124, %parallel_loop3A_119 : vector<16xf32>
        %parallel_loop3A_126 = arith.select %parallel_loop3A_122, %parallel_loop3A_125, %parallel_loop3A_119 : vector<16xi1>, vector<16xf32>
        %parallel_loop3A_127 = arith.constant 2 : i32
        %parallel_loop3A_128 = arith.index_cast %parallel_loop3A_127 : i32 to index
        %parallel_loop3A_129 = arith.index_cast %parallel_loop3A_108 : i32 to index
        %parallel_loop3A_130 = tpu.vector_load %arg10[%parallel_loop3A_128, %parallel_loop3A_129] {strides = array<i32>} : memref<4x4096xf32, #tpu.memory_space<vmem>>, vector<16xf32>,
        tpu.vector_store %arg10[%parallel_loop3A_128, %parallel_loop3A_129], %parallel_loop3A_126 {strides = array<i32>} : memref<4x4096xf32, #tpu.memory_space<vmem>>, vector<16xf32>,
      } {sc.loop_unroll_factor = 8 : i64, sc.parallel_access}
      %parallel_loop3A_52 = arith.constant 0 : i32
      %parallel_loop3A_53 = arith.constant 4096 : i32
      %parallel_loop3A_54 = arith.constant 16 : i32
      scf.for %parallel_loop3A_108 = %parallel_loop3A_52 to %parallel_loop3A_53 step %parallel_loop3A_54  : i32 {
        %parallel_loop3A_109 = arith.constant 3 : i32
        %parallel_loop3A_110 = arith.index_cast %parallel_loop3A_109 : i32 to index
        %parallel_loop3A_111 = arith.index_cast %parallel_loop3A_108 : i32 to index
        %parallel_loop3A_112 = tpu.vector_load %arg8[%parallel_loop3A_110, %parallel_loop3A_111] {strides = array<i32>} : memref<4x4096xf32, #tpu.memory_space<vmem>>, vector<16xf32>,
        %parallel_loop3A_113 = math.absf %parallel_loop3A_112 : vector<16xf32>
        %parallel_loop3A_114 = arith.mulf %parallel_loop3A_113, %get3A_3 : vector<16xf32>
        %parallel_loop3A_115 = arith.constant 1.270000e+02 : f32
        %parallel_loop3A_116 = vector.broadcast %parallel_loop3A_115 : f32 to vector<16xf32>
        %parallel_loop3A_117 = arith.minimumf %parallel_loop3A_114, %parallel_loop3A_116 : vector<16xf32>
        %parallel_loop3A_118 = arith.fptosi %parallel_loop3A_117 : vector<16xf32> to vector<16xi32>
        %parallel_loop3A_119 = tpu.vector_load_idx %arg7[%parallel_loop3A_118] : memref<128xf32, #tpu.memory_space<vmem>>[vector<16xi32>], vector<16xf32>,
        %parallel_loop3A_120 = arith.constant 0.000000e+00 : f32
        %parallel_loop3A_121 = vector.broadcast %parallel_loop3A_120 : f32 to vector<16xf32>
        %parallel_loop3A_122 = arith.cmpf olt, %parallel_loop3A_112, %parallel_loop3A_121 : vector<16xf32>
        %parallel_loop3A_123 = arith.constant 0.000000e+00 : f32
        %parallel_loop3A_124 = vector.broadcast %parallel_loop3A_123 : f32 to vector<16xf32>
        %parallel_loop3A_125 = arith.subf %parallel_loop3A_124, %parallel_loop3A_119 : vector<16xf32>
        %parallel_loop3A_126 = arith.select %parallel_loop3A_122, %parallel_loop3A_125, %parallel_loop3A_119 : vector<16xi1>, vector<16xf32>
        %parallel_loop3A_127 = arith.constant 3 : i32
        %parallel_loop3A_128 = arith.index_cast %parallel_loop3A_127 : i32 to index
        %parallel_loop3A_129 = arith.index_cast %parallel_loop3A_108 : i32 to index
        %parallel_loop3A_130 = tpu.vector_load %arg10[%parallel_loop3A_128, %parallel_loop3A_129] {strides = array<i32>} : memref<4x4096xf32, #tpu.memory_space<vmem>>, vector<16xf32>,
        tpu.vector_store %arg10[%parallel_loop3A_128, %parallel_loop3A_129], %parallel_loop3A_126 {strides = array<i32>} : memref<4x4096xf32, #tpu.memory_space<vmem>>, vector<16xf32>,
      } {sc.loop_unroll_factor = 8 : i64, sc.parallel_access}
      %mul3A_55 = arith.constant 4 : i32
      %mul3A_56 = arith.muli %add3A_34, %mul3A_55 : i32
      %add3A_57 = arith.addi %mul3A_2, %mul3A_56 : i32
      %dma_start3A_58 = arith.constant 0 : i32
      %dma_start3A_59 = tpu.memref_slice %arg5[%add3A_57, %dma_start3A_58] : memref<8192x4096xf32, #tpu.memory_space<hbm>> -> memref<4x4096xf32, #tpu.memory_space<hbm>>
      %dma_start3A_60 = arith.constant 0 : i32
      %dma_start3A_61 = tpu.memref_slice %arg5[%add3A_57, %dma_start3A_60] : memref<8192x4096xf32, #tpu.memory_space<hbm>> -> memref<4x4096xf32, #tpu.memory_space<hbm>>
      tpu.enqueue_dma source(%arg10 : memref<4x4096xf32, #tpu.memory_space<vmem>>) target(%dma_start3A_61 : memref<4x4096xf32, #tpu.memory_space<hbm>>) target_semaphore(%arg14 : memref<!tpu.dma_semaphore, #tpu.memory_space<semaphore_mem>>)
      %add3A_62 = arith.constant 2 : i32
      %add3A_63 = arith.addi %add3A_34, %add3A_62 : i32
      %lt3A = arith.constant 64 : i32
      %lt3A_64 = arith.cmpi slt, %add3A_63, %lt3A : i32
      %convert_element_type3A_65 = arith.extui %lt3A_64 : i1 to i32
      %cond3A_66 = arith.constant 0 : i32
      %cond3A_67 = arith.cmpi ne, %convert_element_type3A_65, %cond3A_66 : i32
      scf.if %cond3A_67 {
        %add3A_108 = arith.constant 2 : i32
        %add3A_109 = arith.addi %add3A_34, %add3A_108 : i32
        %mul3A_110 = arith.constant 4 : i32
        %mul3A_111 = arith.muli %add3A_109, %mul3A_110 : i32
        %add3A_112 = arith.addi %mul3A_2, %mul3A_111 : i32
        %dma_start3A_113 = arith.constant 0 : i32
        %dma_start3A_114 = tpu.memref_slice %arg2[%add3A_112, %dma_start3A_113] : memref<8192x4096xf32, #tpu.memory_space<hbm>> -> memref<4x4096xf32, #tpu.memory_space<hbm>>
        %dma_start3A_115 = arith.constant 0 : i32
        %dma_start3A_116 = tpu.memref_slice %arg2[%add3A_112, %dma_start3A_115] : memref<8192x4096xf32, #tpu.memory_space<hbm>> -> memref<4x4096xf32, #tpu.memory_space<hbm>>
        tpu.enqueue_dma source(%dma_start3A_116 : memref<4x4096xf32, #tpu.memory_space<hbm>>) target(%arg8 : memref<4x4096xf32, #tpu.memory_space<vmem>>) target_semaphore(%arg12 : memref<!tpu.dma_semaphore, #tpu.memory_space<semaphore_mem>>)
      } else {
      }
      %add3A_68 = arith.constant 1 : i32
      %add3A_69 = arith.addi %mul3A_32, %add3A_68 : i32
      %mul3A_70 = arith.constant 4 : i32
      %mul3A_71 = arith.muli %add3A_69, %mul3A_70 : i32
      %add3A_72 = arith.addi %mul3A_2, %mul3A_71 : i32
      %dma_wait3A_73 = arith.constant 0 : i32
      %dma_wait3A_74 = tpu.memref_slice %arg2[%add3A_72, %dma_wait3A_73] : memref<8192x4096xf32, #tpu.memory_space<hbm>> -> memref<4x4096xf32, #tpu.memory_space<hbm>>
      %dma_wait3A_75 = arith.constant 0 : i32
      %dma_wait3A_76 = tpu.memref_slice %arg2[%add3A_72, %dma_wait3A_75] : memref<8192x4096xf32, #tpu.memory_space<hbm>> -> memref<4x4096xf32, #tpu.memory_space<hbm>>
      tpu.wait_dma2 semaphore(%arg13 : memref<!tpu.dma_semaphore, #tpu.memory_space<semaphore_mem>>) src(%dma_wait3A_76 : memref<4x4096xf32, #tpu.memory_space<hbm>>) dst(%arg9 : memref<4x4096xf32, #tpu.memory_space<vmem>>)
      %gt3A_77 = arith.constant 0 : i32
      %gt3A_78 = arith.cmpi sgt, %scan3A_30, %gt3A_77 : i32
      %convert_element_type3A_79 = arith.extui %gt3A_78 : i1 to i32
      %cond3A_80 = arith.constant 0 : i32
      %cond3A_81 = arith.cmpi ne, %convert_element_type3A_79, %cond3A_80 : i32
      scf.if %cond3A_81 {
        %sub3A = arith.constant 2 : i32
        %sub3A_108 = arith.subi %add3A_69, %sub3A : i32
        %mul3A_109 = arith.constant 4 : i32
        %mul3A_110 = arith.muli %sub3A_108, %mul3A_109 : i32
        %add3A_111 = arith.addi %mul3A_2, %mul3A_110 : i32
        %dma_wait3A_112 = arith.constant 0 : i32
        %dma_wait3A_113 = tpu.memref_slice %arg5[%add3A_111, %dma_wait3A_112] : memref<8192x4096xf32, #tpu.memory_space<hbm>> -> memref<4x4096xf32, #tpu.memory_space<hbm>>
        %dma_wait3A_114 = arith.constant 0 : i32
        %dma_wait3A_115 = tpu.memref_slice %arg5[%add3A_111, %dma_wait3A_114] : memref<8192x4096xf32, #tpu.memory_space<hbm>> -> memref<4x4096xf32, #tpu.memory_space<hbm>>
        tpu.wait_dma2 semaphore(%arg15 : memref<!tpu.dma_semaphore, #tpu.memory_space<semaphore_mem>>) src(%arg11 : memref<4x4096xf32, #tpu.memory_space<vmem>>) dst(%dma_wait3A_115 : memref<4x4096xf32, #tpu.memory_space<hbm>>)
      } else {
      }
      %parallel_loop3A_82 = arith.constant 0 : i32
      %parallel_loop3A_83 = arith.constant 4096 : i32
      %parallel_loop3A_84 = arith.constant 16 : i32
      scf.for %parallel_loop3A_108 = %parallel_loop3A_82 to %parallel_loop3A_83 step %parallel_loop3A_84  : i32 {
        %parallel_loop3A_109 = arith.constant 0 : i32
        %parallel_loop3A_110 = arith.index_cast %parallel_loop3A_109 : i32 to index
        %parallel_loop3A_111 = arith.index_cast %parallel_loop3A_108 : i32 to index
        %parallel_loop3A_112 = tpu.vector_load %arg9[%parallel_loop3A_110, %parallel_loop3A_111] {strides = array<i32>} : memref<4x4096xf32, #tpu.memory_space<vmem>>, vector<16xf32>,
        %parallel_loop3A_113 = math.absf %parallel_loop3A_112 : vector<16xf32>
        %parallel_loop3A_114 = arith.mulf %parallel_loop3A_113, %get3A_3 : vector<16xf32>
        %parallel_loop3A_115 = arith.constant 1.270000e+02 : f32
        %parallel_loop3A_116 = vector.broadcast %parallel_loop3A_115 : f32 to vector<16xf32>
        %parallel_loop3A_117 = arith.minimumf %parallel_loop3A_114, %parallel_loop3A_116 : vector<16xf32>
        %parallel_loop3A_118 = arith.fptosi %parallel_loop3A_117 : vector<16xf32> to vector<16xi32>
        %parallel_loop3A_119 = tpu.vector_load_idx %arg7[%parallel_loop3A_118] : memref<128xf32, #tpu.memory_space<vmem>>[vector<16xi32>], vector<16xf32>,
        %parallel_loop3A_120 = arith.constant 0.000000e+00 : f32
        %parallel_loop3A_121 = vector.broadcast %parallel_loop3A_120 : f32 to vector<16xf32>
        %parallel_loop3A_122 = arith.cmpf olt, %parallel_loop3A_112, %parallel_loop3A_121 : vector<16xf32>
        %parallel_loop3A_123 = arith.constant 0.000000e+00 : f32
        %parallel_loop3A_124 = vector.broadcast %parallel_loop3A_123 : f32 to vector<16xf32>
        %parallel_loop3A_125 = arith.subf %parallel_loop3A_124, %parallel_loop3A_119 : vector<16xf32>
        %parallel_loop3A_126 = arith.select %parallel_loop3A_122, %parallel_loop3A_125, %parallel_loop3A_119 : vector<16xi1>, vector<16xf32>
        %parallel_loop3A_127 = arith.constant 0 : i32
        %parallel_loop3A_128 = arith.index_cast %parallel_loop3A_127 : i32 to index
        %parallel_loop3A_129 = arith.index_cast %parallel_loop3A_108 : i32 to index
        %parallel_loop3A_130 = tpu.vector_load %arg11[%parallel_loop3A_128, %parallel_loop3A_129] {strides = array<i32>} : memref<4x4096xf32, #tpu.memory_space<vmem>>, vector<16xf32>,
        tpu.vector_store %arg11[%parallel_loop3A_128, %parallel_loop3A_129], %parallel_loop3A_126 {strides = array<i32>} : memref<4x4096xf32, #tpu.memory_space<vmem>>, vector<16xf32>,
      } {sc.loop_unroll_factor = 8 : i64, sc.parallel_access}
      %parallel_loop3A_85 = arith.constant 0 : i32
      %parallel_loop3A_86 = arith.constant 4096 : i32
      %parallel_loop3A_87 = arith.constant 16 : i32
      scf.for %parallel_loop3A_108 = %parallel_loop3A_85 to %parallel_loop3A_86 step %parallel_loop3A_87  : i32 {
        %parallel_loop3A_109 = arith.constant 1 : i32
        %parallel_loop3A_110 = arith.index_cast %parallel_loop3A_109 : i32 to index
        %parallel_loop3A_111 = arith.index_cast %parallel_loop3A_108 : i32 to index
        %parallel_loop3A_112 = tpu.vector_load %arg9[%parallel_loop3A_110, %parallel_loop3A_111] {strides = array<i32>} : memref<4x4096xf32, #tpu.memory_space<vmem>>, vector<16xf32>,
        %parallel_loop3A_113 = math.absf %parallel_loop3A_112 : vector<16xf32>
        %parallel_loop3A_114 = arith.mulf %parallel_loop3A_113, %get3A_3 : vector<16xf32>
        %parallel_loop3A_115 = arith.constant 1.270000e+02 : f32
        %parallel_loop3A_116 = vector.broadcast %parallel_loop3A_115 : f32 to vector<16xf32>
        %parallel_loop3A_117 = arith.minimumf %parallel_loop3A_114, %parallel_loop3A_116 : vector<16xf32>
        %parallel_loop3A_118 = arith.fptosi %parallel_loop3A_117 : vector<16xf32> to vector<16xi32>
        %parallel_loop3A_119 = tpu.vector_load_idx %arg7[%parallel_loop3A_118] : memref<128xf32, #tpu.memory_space<vmem>>[vector<16xi32>], vector<16xf32>,
        %parallel_loop3A_120 = arith.constant 0.000000e+00 : f32
        %parallel_loop3A_121 = vector.broadcast %parallel_loop3A_120 : f32 to vector<16xf32>
        %parallel_loop3A_122 = arith.cmpf olt, %parallel_loop3A_112, %parallel_loop3A_121 : vector<16xf32>
        %parallel_loop3A_123 = arith.constant 0.000000e+00 : f32
        %parallel_loop3A_124 = vector.broadcast %parallel_loop3A_123 : f32 to vector<16xf32>
        %parallel_loop3A_125 = arith.subf %parallel_loop3A_124, %parallel_loop3A_119 : vector<16xf32>
        %parallel_loop3A_126 = arith.select %parallel_loop3A_122, %parallel_loop3A_125, %parallel_loop3A_119 : vector<16xi1>, vector<16xf32>
        %parallel_loop3A_127 = arith.constant 1 : i32
        %parallel_loop3A_128 = arith.index_cast %parallel_loop3A_127 : i32 to index
        %parallel_loop3A_129 = arith.index_cast %parallel_loop3A_108 : i32 to index
        %parallel_loop3A_130 = tpu.vector_load %arg11[%parallel_loop3A_128, %parallel_loop3A_129] {strides = array<i32>} : memref<4x4096xf32, #tpu.memory_space<vmem>>, vector<16xf32>,
        tpu.vector_store %arg11[%parallel_loop3A_128, %parallel_loop3A_129], %parallel_loop3A_126 {strides = array<i32>} : memref<4x4096xf32, #tpu.memory_space<vmem>>, vector<16xf32>,
      } {sc.loop_unroll_factor = 8 : i64, sc.parallel_access}
      %parallel_loop3A_88 = arith.constant 0 : i32
      %parallel_loop3A_89 = arith.constant 4096 : i32
      %parallel_loop3A_90 = arith.constant 16 : i32
      scf.for %parallel_loop3A_108 = %parallel_loop3A_88 to %parallel_loop3A_89 step %parallel_loop3A_90  : i32 {
        %parallel_loop3A_109 = arith.constant 2 : i32
        %parallel_loop3A_110 = arith.index_cast %parallel_loop3A_109 : i32 to index
        %parallel_loop3A_111 = arith.index_cast %parallel_loop3A_108 : i32 to index
        %parallel_loop3A_112 = tpu.vector_load %arg9[%parallel_loop3A_110, %parallel_loop3A_111] {strides = array<i32>} : memref<4x4096xf32, #tpu.memory_space<vmem>>, vector<16xf32>,
        %parallel_loop3A_113 = math.absf %parallel_loop3A_112 : vector<16xf32>
        %parallel_loop3A_114 = arith.mulf %parallel_loop3A_113, %get3A_3 : vector<16xf32>
        %parallel_loop3A_115 = arith.constant 1.270000e+02 : f32
        %parallel_loop3A_116 = vector.broadcast %parallel_loop3A_115 : f32 to vector<16xf32>
        %parallel_loop3A_117 = arith.minimumf %parallel_loop3A_114, %parallel_loop3A_116 : vector<16xf32>
        %parallel_loop3A_118 = arith.fptosi %parallel_loop3A_117 : vector<16xf32> to vector<16xi32>
        %parallel_loop3A_119 = tpu.vector_load_idx %arg7[%parallel_loop3A_118] : memref<128xf32, #tpu.memory_space<vmem>>[vector<16xi32>], vector<16xf32>,
        %parallel_loop3A_120 = arith.constant 0.000000e+00 : f32
        %parallel_loop3A_121 = vector.broadcast %parallel_loop3A_120 : f32 to vector<16xf32>
        %parallel_loop3A_122 = arith.cmpf olt, %parallel_loop3A_112, %parallel_loop3A_121 : vector<16xf32>
        %parallel_loop3A_123 = arith.constant 0.000000e+00 : f32
        %parallel_loop3A_124 = vector.broadcast %parallel_loop3A_123 : f32 to vector<16xf32>
        %parallel_loop3A_125 = arith.subf %parallel_loop3A_124, %parallel_loop3A_119 : vector<16xf32>
        %parallel_loop3A_126 = arith.select %parallel_loop3A_122, %parallel_loop3A_125, %parallel_loop3A_119 : vector<16xi1>, vector<16xf32>
        %parallel_loop3A_127 = arith.constant 2 : i32
        %parallel_loop3A_128 = arith.index_cast %parallel_loop3A_127 : i32 to index
        %parallel_loop3A_129 = arith.index_cast %parallel_loop3A_108 : i32 to index
        %parallel_loop3A_130 = tpu.vector_load %arg11[%parallel_loop3A_128, %parallel_loop3A_129] {strides = array<i32>} : memref<4x4096xf32, #tpu.memory_space<vmem>>, vector<16xf32>,
        tpu.vector_store %arg11[%parallel_loop3A_128, %parallel_loop3A_129], %parallel_loop3A_126 {strides = array<i32>} : memref<4x4096xf32, #tpu.memory_space<vmem>>, vector<16xf32>,
      } {sc.loop_unroll_factor = 8 : i64, sc.parallel_access}
      %parallel_loop3A_91 = arith.constant 0 : i32
      %parallel_loop3A_92 = arith.constant 4096 : i32
      %parallel_loop3A_93 = arith.constant 16 : i32
      scf.for %parallel_loop3A_108 = %parallel_loop3A_91 to %parallel_loop3A_92 step %parallel_loop3A_93  : i32 {
        %parallel_loop3A_109 = arith.constant 3 : i32
        %parallel_loop3A_110 = arith.index_cast %parallel_loop3A_109 : i32 to index
        %parallel_loop3A_111 = arith.index_cast %parallel_loop3A_108 : i32 to index
        %parallel_loop3A_112 = tpu.vector_load %arg9[%parallel_loop3A_110, %parallel_loop3A_111] {strides = array<i32>} : memref<4x4096xf32, #tpu.memory_space<vmem>>, vector<16xf32>,
        %parallel_loop3A_113 = math.absf %parallel_loop3A_112 : vector<16xf32>
        %parallel_loop3A_114 = arith.mulf %parallel_loop3A_113, %get3A_3 : vector<16xf32>
        %parallel_loop3A_115 = arith.constant 1.270000e+02 : f32
        %parallel_loop3A_116 = vector.broadcast %parallel_loop3A_115 : f32 to vector<16xf32>
        %parallel_loop3A_117 = arith.minimumf %parallel_loop3A_114, %parallel_loop3A_116 : vector<16xf32>
        %parallel_loop3A_118 = arith.fptosi %parallel_loop3A_117 : vector<16xf32> to vector<16xi32>
        %parallel_loop3A_119 = tpu.vector_load_idx %arg7[%parallel_loop3A_118] : memref<128xf32, #tpu.memory_space<vmem>>[vector<16xi32>], vector<16xf32>,
        %parallel_loop3A_120 = arith.constant 0.000000e+00 : f32
        %parallel_loop3A_121 = vector.broadcast %parallel_loop3A_120 : f32 to vector<16xf32>
        %parallel_loop3A_122 = arith.cmpf olt, %parallel_loop3A_112, %parallel_loop3A_121 : vector<16xf32>
        %parallel_loop3A_123 = arith.constant 0.000000e+00 : f32
        %parallel_loop3A_124 = vector.broadcast %parallel_loop3A_123 : f32 to vector<16xf32>
        %parallel_loop3A_125 = arith.subf %parallel_loop3A_124, %parallel_loop3A_119 : vector<16xf32>
        %parallel_loop3A_126 = arith.select %parallel_loop3A_122, %parallel_loop3A_125, %parallel_loop3A_119 : vector<16xi1>, vector<16xf32>
        %parallel_loop3A_127 = arith.constant 3 : i32
        %parallel_loop3A_128 = arith.index_cast %parallel_loop3A_127 : i32 to index
        %parallel_loop3A_129 = arith.index_cast %parallel_loop3A_108 : i32 to index
        %parallel_loop3A_130 = tpu.vector_load %arg11[%parallel_loop3A_128, %parallel_loop3A_129] {strides = array<i32>} : memref<4x4096xf32, #tpu.memory_space<vmem>>, vector<16xf32>,
        tpu.vector_store %arg11[%parallel_loop3A_128, %parallel_loop3A_129], %parallel_loop3A_126 {strides = array<i32>} : memref<4x4096xf32, #tpu.memory_space<vmem>>, vector<16xf32>,
      } {sc.loop_unroll_factor = 8 : i64, sc.parallel_access}
      %mul3A_94 = arith.constant 4 : i32
      %mul3A_95 = arith.muli %add3A_69, %mul3A_94 : i32
      %add3A_96 = arith.addi %mul3A_2, %mul3A_95 : i32
      %dma_start3A_97 = arith.constant 0 : i32
      %dma_start3A_98 = tpu.memref_slice %arg5[%add3A_96, %dma_start3A_97] : memref<8192x4096xf32, #tpu.memory_space<hbm>> -> memref<4x4096xf32, #tpu.memory_space<hbm>>
      %dma_start3A_99 = arith.constant 0 : i32
      %dma_start3A_100 = tpu.memref_slice %arg5[%add3A_96, %dma_start3A_99] : memref<8192x4096xf32, #tpu.memory_space<hbm>> -> memref<4x4096xf32, #tpu.memory_space<hbm>>
      tpu.enqueue_dma source(%arg11 : memref<4x4096xf32, #tpu.memory_space<vmem>>) target(%dma_start3A_100 : memref<4x4096xf32, #tpu.memory_space<hbm>>) target_semaphore(%arg15 : memref<!tpu.dma_semaphore, #tpu.memory_space<semaphore_mem>>)
      %add3A_101 = arith.constant 2 : i32
      %add3A_102 = arith.addi %add3A_69, %add3A_101 : i32
      %lt3A_103 = arith.constant 64 : i32
      %lt3A_104 = arith.cmpi slt, %add3A_102, %lt3A_103 : i32
      %convert_element_type3A_105 = arith.extui %lt3A_104 : i1 to i32
      %cond3A_106 = arith.constant 0 : i32
      %cond3A_107 = arith.cmpi ne, %convert_element_type3A_105, %cond3A_106 : i32
      scf.if %cond3A_107 {
        %add3A_108 = arith.constant 2 : i32
        %add3A_109 = arith.addi %add3A_69, %add3A_108 : i32
        %mul3A_110 = arith.constant 4 : i32
        %mul3A_111 = arith.muli %add3A_109, %mul3A_110 : i32
        %add3A_112 = arith.addi %mul3A_2, %mul3A_111 : i32
        %dma_start3A_113 = arith.constant 0 : i32
        %dma_start3A_114 = tpu.memref_slice %arg2[%add3A_112, %dma_start3A_113] : memref<8192x4096xf32, #tpu.memory_space<hbm>> -> memref<4x4096xf32, #tpu.memory_space<hbm>>
        %dma_start3A_115 = arith.constant 0 : i32
        %dma_start3A_116 = tpu.memref_slice %arg2[%add3A_112, %dma_start3A_115] : memref<8192x4096xf32, #tpu.memory_space<hbm>> -> memref<4x4096xf32, #tpu.memory_space<hbm>>
        tpu.enqueue_dma source(%dma_start3A_116 : memref<4x4096xf32, #tpu.memory_space<hbm>>) target(%arg9 : memref<4x4096xf32, #tpu.memory_space<vmem>>) target_semaphore(%arg13 : memref<!tpu.dma_semaphore, #tpu.memory_space<semaphore_mem>>)
      } else {
      }
    }
    %scan3A_18 = arith.constant 32 : i32
    %add3A_19 = arith.constant 248 : i32
    %add3A_20 = arith.addi %mul3A_2, %add3A_19 : i32
    %dma_wait3A = arith.constant 0 : i32
    %dma_wait3A_21 = tpu.memref_slice %arg5[%add3A_20, %dma_wait3A] : memref<8192x4096xf32, #tpu.memory_space<hbm>> -> memref<4x4096xf32, #tpu.memory_space<hbm>>
    %dma_wait3A_22 = arith.constant 0 : i32
    %dma_wait3A_23 = tpu.memref_slice %arg5[%add3A_20, %dma_wait3A_22] : memref<8192x4096xf32, #tpu.memory_space<hbm>> -> memref<4x4096xf32, #tpu.memory_space<hbm>>
    tpu.wait_dma2 semaphore(%arg14 : memref<!tpu.dma_semaphore, #tpu.memory_space<semaphore_mem>>) src(%arg10 : memref<4x4096xf32, #tpu.memory_space<vmem>>) dst(%dma_wait3A_23 : memref<4x4096xf32, #tpu.memory_space<hbm>>)
    %add3A_24 = arith.constant 252 : i32
    %add3A_25 = arith.addi %mul3A_2, %add3A_24 : i32
    %dma_wait3A_26 = arith.constant 0 : i32
    %dma_wait3A_27 = tpu.memref_slice %arg5[%add3A_25, %dma_wait3A_26] : memref<8192x4096xf32, #tpu.memory_space<hbm>> -> memref<4x4096xf32, #tpu.memory_space<hbm>>
    %dma_wait3A_28 = arith.constant 0 : i32
    %dma_wait3A_29 = tpu.memref_slice %arg5[%add3A_25, %dma_wait3A_28] : memref<8192x4096xf32, #tpu.memory_space<hbm>> -> memref<4x4096xf32, #tpu.memory_space<hbm>>
    tpu.wait_dma2 semaphore(%arg15 : memref<!tpu.dma_semaphore, #tpu.memory_space<semaphore_mem>>) src(%arg11 : memref<4x4096xf32, #tpu.memory_space<vmem>>) dst(%dma_wait3A_29 : memref<4x4096xf32, #tpu.memory_space<hbm>>)
    return
  }
}

module attributes {stable_mosaic.version = 14 : i64} {
  func.func @_scale_body(%arg0: memref<1xf32, #tpu.memory_space<smem>>, %arg1: memref<1x1xf32, #tpu.memory_space<vmem>>, %arg2: memref<8x128xf32, #tpu.memory_space<vmem>>) attributes {dimension_semantics = [], scalar_prefetch = 0 : i64, scratch_operands = 0 : i64, tpu.core_type = #tpu.core_type<tc>} {
    %get3A = arith.constant 0 : index
    %get3A_0 = memref.load %arg0[%get3A] : memref<1xf32, #tpu.memory_space<smem>>
    %max3A = arith.constant 0.000000e+00 : f32
    %max3A_1 = arith.maximumf %get3A_0, %max3A : f32
    %abs3A = math.absf %get3A_0 : f32
    %neg3A = arith.constant 0.000000e+00 : f32
    %neg3A_2 = arith.subf %neg3A, %abs3A : f32
    %exp3A = math.exp %neg3A_2 : f32
    %log1p3A = math.log1p %exp3A : f32
    %add3A = arith.addf %max3A_1, %log1p3A : f32
    %max3A_3 = arith.constant 9.99999997E-7 : f32
    %max3A_4 = arith.maximumf %add3A, %max3A_3 : f32
    %broadcast_in_dim3A = vector.broadcast %max3A_4 : f32 to vector<1x1xf32>
    %swap3A = arith.constant 0 : index
    %swap3A_5 = arith.constant 0 : index
    %swap3A_6 = vector.load %arg1[%swap3A, %swap3A_5] : memref<1x1xf32, #tpu.memory_space<vmem>>, vector<1x1xf32>
    tpu.vector_store %arg1[%swap3A, %swap3A_5], %broadcast_in_dim3A {strides = array<i32>} : memref<1x1xf32, #tpu.memory_space<vmem>>, vector<1x1xf32>,
    %div3A = arith.constant 1.280000e+02 : f32
    %div3A_7 = arith.divf %div3A, %max3A_4 : f32
    %broadcast_in_dim3A_8 = vector.broadcast %div3A_7 : f32 to vector<8x128xf32>
    %swap3A_9 = arith.constant 0 : index
    %swap3A_10 = arith.constant 0 : index
    %swap3A_11 = vector.load %arg2[%swap3A_9, %swap3A_10] : memref<8x128xf32, #tpu.memory_space<vmem>>, vector<8x128xf32>
    tpu.vector_store %arg2[%swap3A_9, %swap3A_10], %broadcast_in_dim3A_8 {strides = array<i32>} : memref<8x128xf32, #tpu.memory_space<vmem>>, vector<8x128xf32>,
    return
  }
}

</mosaic_0001>

<sc_bundles>
// kernel: kernel.4.cloned.1.call-start
scs
__scs_entry_jumppad:
0x0: {  	(pc) =	sbr.rel $0x88, $3  }
0x1: {  	(tag) =	ssettag $0x0;
	lr =	simm.s32 $0x1  }
0x2: {  	[smem:$0x3F9F] =	sst lr;
	_ =	strace $0xD0000000  }
0x3: {  	_ = 	snop  }
0x4: {  	_ = 	snop  }
0x5: {  	_ = 	snop  }
0x6: {  	_ = 	snop  }
0x7: {  	_ = 	snop  }
__scs_overlays_trampoline_lowered:
0x8: {  	[smem:$0x3FAE] =	sst s0  }
0x9: {  	[smem:$0x3FAF] =	sst s1  }
0xa: {  	[smem:$0x3FB0] =	sst s2  }
0xb: {  	[smem:$0x3FB1] =	sst s3  }
0xc: {  	[smem:$0x3FB2] =	sst s4  }
0xd: {  	[smem:$0x3FB3] =	sst s5  }
0xe: {  	[smem:$0x3FB4] =	sst s6  }
0xf: {  	[smem:$0x3FB5] =	sst s7  }
0x10: {  	[smem:$0x3FB6] =	sst s8  }
0x11: {  	[smem:$0x3FB7] =	sst s9;
	s0 =	simm.s32 @!p0 $0x0  }
0x12: {  	s1 =	sld [smem:$0x3F9D];
	s0 =	simm.s32 @p0 $0x1  }
0x13: {  	[smem:$0x3FB8] =	sst s0;
	s0 =	simm.s32 @!p1 $0x0  }
0x14: {  	s2 =	sld [smem:$0x3F9C];
	s0 =	simm.s32 @p1 $0x1  }
0x15: {  	[smem:$0x3FB9] =	sst s0;
	s0 =	simm.s32 @!p2 $0x0  }
0x16: {  	s3 =	sld [smem:$0x3FDB];
	s0 =	simm.s32 @p2 $0x1  }
0x17: {  	s4 =	simm.s32 $0x1BF5;
	[smem:$0x3FBB] =	sst s0  }
0x18: {  	s0 =	sld [smem:$0x3F9E];
	_ =	swait.ge [sflag:s4], $0x0  }
0x19: {  	s7 =	sld [smem:$0x3F9F]  }
0x1a: {  	s8 =	sadd.s32 $0xFFFFE003, lr  }
0x1b: {  	s9 =	sadd.s32 $0xFFFFFEF7, lr;
	s5 =	simm.s32 $0xFFFFFFFF;
	p2 =	slt.u32 s8, $0xFFFFF086  }
0x1c: {  	p1 =	slt.u32 s9, $0xF7A;
	s5 =	simm.s32 @!p2 $0x0  }
0x1d: {  	s5 =	simm.s32 @p1 $0x1;
	p0 =	seq.s32 s7, s2  }
0x1e: {  	s7 =	smul.u32 @!p0 $0xF7A, s2;
	p2 =	seq.s32 @!p0 s5, $0x0  }
0x1f: {  	s9 =	smul.u32 $0xF7A, s1;
	s8 =	simm.s32 @!p0 $0x1BF5;
	p2 =	por !p2, p0  }
0x20: {  	[sflag:s8] =	ssyncset.s32 @!p0 $0xFFFFF086;
	s6 =	sadd.s32 @!p0 s3, s7;
	s7 =	simm.s32 @!p0 $0x108  }
0x21: {  	s3 =	sadd.s32 s3, s9;
	s6 =	sadd.s32 @!p0 $0x88, s6;
	s7 =	simm.s32 @p2 $0x1082  }
0x22: {  	[simem:s7], [sflag:s8] =	dma.local @!p0 [hbm:s6], $0xF7A  }
0x23: {  	s9 =	sor.u32 $0xD0000000, s2;
	s6 =	simm.s32 $0x108;
	_ =	swait.ge @!p0 [sflag:s8], $0x0  }
0x24: {  	s3 =	sadd.s32 $0x88, s3;
	s6 =	simm.s32 @!p1 $0x1082;
	[sflag:s4] =	ssyncset.s32 $0xFFFFF086  }
0x25: {  	[simem:s6], [sflag:s4] =	dma.local [hbm:s3], $0xF7A  }
0x26: {  	[smem:$0x3F9F] =	sst s1;
	(tag) =	ssettag s2;
	_ =	strace s9  }
0x27: {  	s1 =	sld [smem:$0x3FAF]  }
0x28: {  	s2 =	sld [smem:$0x3FB0]  }
0x29: {  	s4 =	sld [smem:$0x3FB2]  }
0x2a: {  	p0 =	seq.s32 s5, $0x0;
	s5 =	sld [smem:$0x3FB3]  }
0x2b: {  	s6 =	sld [smem:$0x3FB4]  }
0x2c: {  	s7 =	sld [smem:$0x3FB5]  }
0x2d: {  	s3 =	simm.s32 $0x108;
	s8 =	sld [smem:$0x3FB6]  }
0x2e: {  	s3 =	simm.s32 @!p0 $0x1082;
	s9 =	sld [smem:$0x3FB7]  }
0x2f: {  	lr =	sadd.s32 s0, s3;
	s0 =	sld [smem:$0x3FAE]  }
0x30: {  	s3 =	sld [smem:$0x3FB1]  }
0x31: {  	[smem:$0x3FBA] =	sst s10  }
0x32: {  	s10 =	sld [smem:$0x3FB8];
	_ =	sdelay $0x3  }
0x33: {  	p0 =	seq.s32 s10, $0x1;
	s10 =	sld [smem:$0x3FBA];
	_ =	sdelay $0x3  }
0x34: {  	[smem:$0x3FBA] =	sst s10  }
0x35: {  	s10 =	sld [smem:$0x3FB9];
	_ =	sdelay $0x3  }
0x36: {  	p1 =	seq.s32 s10, $0x1;
	s10 =	sld [smem:$0x3FBA];
	_ =	sdelay $0x3  }
0x37: {  	[smem:$0x3FBA] =	sst s10  }
0x38: {  	s10 =	sld [smem:$0x3FBB]  }
0x39: {  	_ = 	snop;
	(pc) =	sbr.ind lr, $3  }
0x3a: {  	_ = 	snop  }
0x3b: {  	_ = 	snop  }
0x3c: {  	p2 =	seq.s32 s10, $0x1;
	s10 =	sld [smem:$0x3FBA]  }
0x3d: {  	_ =	shalt  }
0x3e: {  	_ =	shalt  }
0x3f: {  	_ =	shalt  }
0x40: {  	_ =	shalt  }
0x41: {  	_ =	shalt  }
0x42: {  	_ =	shalt  }
0x43: {  	_ =	shalt  }
0x44: {  	_ =	shalt  }
0x45: {  	_ =	shalt  }
0x46: {  	_ =	shalt  }
0x47: {  	_ =	shalt  }
0x48: {  	_ =	shalt  }
0x49: {  	_ =	shalt  }
0x4a: {  	_ =	shalt  }
0x4b: {  	_ =	shalt  }
0x4c: {  	_ =	shalt  }
0x4d: {  	_ =	shalt  }
0x4e: {  	_ =	shalt  }
0x4f: {  	_ =	shalt  }
0x50: {  	_ =	shalt  }
0x51: {  	_ =	shalt  }
0x52: {  	_ =	shalt  }
0x53: {  	_ =	shalt  }
0x54: {  	_ =	shalt  }
0x55: {  	_ =	shalt  }
0x56: {  	_ =	shalt  }
0x57: {  	_ =	shalt  }
0x58: {  	_ =	shalt  }
0x59: {  	_ =	shalt  }
0x5a: {  	_ =	shalt  }
0x5b: {  	_ =	shalt  }
0x5c: {  	_ =	shalt  }
0x5d: {  	_ =	shalt  }
0x5e: {  	_ =	shalt  }
0x5f: {  	_ =	shalt  }
0x60: {  	_ =	shalt  }
0x61: {  	_ =	shalt  }
0x62: {  	_ =	shalt  }
0x63: {  	_ =	shalt  }
0x64: {  	_ =	shalt  }
0x65: {  	_ =	shalt  }
0x66: {  	_ =	shalt  }
0x67: {  	_ =	shalt  }
0x68: {  	_ =	shalt  }
0x69: {  	_ =	shalt  }
0x6a: {  	_ =	shalt  }
0x6b: {  	_ =	shalt  }
0x6c: {  	_ =	shalt  }
0x6d: {  	_ =	shalt  }
0x6e: {  	_ =	shalt  }
0x6f: {  	_ =	shalt  }
0x70: {  	_ =	shalt  }
0x71: {  	_ =	shalt  }
0x72: {  	_ =	shalt  }
0x73: {  	_ =	shalt  }
0x74: {  	_ =	shalt  }
0x75: {  	_ =	shalt  }
0x76: {  	_ =	shalt  }
0x77: {  	_ =	shalt  }
0x78: {  	_ =	shalt  }
0x79: {  	_ =	shalt  }
0x7a: {  	_ =	shalt  }
0x7b: {  	_ =	shalt  }
0x7c: {  	_ =	shalt  }
0x7d: {  	_ =	shalt  }
0x7e: {  	_ =	shalt  }
0x7f: {  	_ =	shalt  }
0x80: {  	_ =	shalt  }
0x81: {  	_ =	shalt  }
0x82: {  	_ =	shalt  }
0x83: {  	_ =	shalt  }
0x84: {  	_ =	shalt  }
0x85: {  	_ =	shalt  }
0x86: {  	_ =	shalt  }
0x87: {  	_ =	shalt  }
.Lfunc_end0:
.L_simem_size_0:
called_computation_lowered:
.L_overlay_start_0:
0x88: {  	s2 =	sld [smem:$0x3FD9]  }
0x89: {  	s3 =	sld [smem:$0x3FFE];
	_ =	sdelay $0x1  }
0x8a: {  	s1 =	srdreg.scid  }
0x8b: {  	s0 =	sand.u32 $0x1, s1  }
0x8c: {  	s14 =	sshll.u32 s0, $0xA;
	s2 =	sadd.s32 s3, s2  }
0x8d: {  	s2 =	sadd.s32 s2, s14  }
0x8e: {  	[smem:$0x3FC6] =	sst s2  }
0x8f: {  	_ = 	snop  }
0x90: {  	s2 =	sld [smem:$0x3FD0];
	_ =	sdelay $0x2  }
0x91: {  	s4 =	simm.s32 $0xA;
	s5 =	simm.s32 $0x10;
	s15 =	sld [smem:$0x3FC9]  }
0x92: {  	[smem:s5], [sflag:s4] =	dma.local [hbm:s2], $0x1  }
0x93: {  	_ =	swait.eq [sflag:s4], $0x1  }
0x94: {  	[sflag:s4] =	ssyncset.done $0x0  }
0x95: {  	[sflag:s4] =	ssyncadd.s32 $0xFFFFFFFF  }
0x96: {  	s16 =	sld [smem:$0x10];
	(tm) =	ssettm $0x1  }
0x97: {  	s17 =	sld [smem:$0x3FFB];
	_ =	sdelay $0x3  }
0x98: {  	_ =	strace s17  }
0x99: {  	s4 =	sld [smem:$0x3FFC];
	_ =	sdelay $0x3  }
0x9a: {  	_ =	strace s4  }
0x9b: {  	s4 =	sld [smem:$0x3FFD];
	_ =	sdelay $0x3  }
0x9c: {  	_ =	strace s4  }
0x9d: {  	_ =	strace $0x8FFFFFFF  }
0x9e: {  	s18 =	sld [smem:$0x3FDB];
	_ =	sdelay $0x1  }
0x9f: {  	s19 =	simm.s32 $_scs_section_size  }
0xa0: {  	s6 =	simm.s32 $_size__tile_overlayer_lowered;
	s7 =	simm.s32 $_tile_overlayer_lowered  }
0xa1: {  	s22 =	simm.s32 $0x1BFF;
	s21 =	sshll.u32 s7, $0x1;
	s4 =	sadd.s32 s19, s18  }
0xa2: {  	s8 =	simm.s32 $0x0;
	s20 =	sshll.u32 s6, $0x1;
	s6 =	sadd.s32 s21, s4  }
0xa3: {  	[timem:s8], [sflag:s22] =	dma.local [hbm:s6], s20  }
0xa4: {  	_ =	swait.ge [sflag:s22], s20  }
0xa5: {  	s5 =	ssub.s32 $0x0, s20;
	[sflag:s22] =	ssyncset.done $0x0  }
0xa6: {  	[sflag:s22] =	ssyncadd.s32 s5;
	_ =	sdelay $0x1  }
0xa7: {  	s23 =	simm.s32 $0x1B8B  }
0xa8: {  	_ =	swait.ge [sflag:s23], $0x1  }
0xa9: {  	[sflag:s23] =	ssyncset.done $0x0  }
0xaa: {  	s25 =	simm.s32 $0x1B8E;
	s24 =	sld [smem:$0x3FFE];
	[sflag:s23] =	ssyncadd.s32 $0xFFFFFFFF  }
0xab: {  	s26 =	simm.s32 $execute0_lowered;
	[smem:$0x3FD2] =	sst s25  }
0xac: {  	s6 =	sshll.u32 s26, $0x1;
	_ =	strace $0x80000046;
	[dreg:$0x1] =	wrdreg $0xFFFFFFFF  }
0xad: {  	s28 =	simm.s32 $_size_execute0_lowered;
	s4 =	sadd.s32 s4, s6;
	[dreg:$0x0] =	wrdreg $0x0  }
0xae: {  	s6 =	sshll.u32 s28, $0x1;
	[dreg:$0x2] =	wrdreg s4  }
0xaf: {  	[dreg:$0x3] =	wrdreg s6  }
0xb0: {  	[dreg:$0x4] =	wrdreg $0xC0  }
0xb1: {  	_ =	task [dreg:s8], $0x5FFFF  }
0xb2: {  	[dreg:$0x1] =	wrdreg $0xFFFFFFFF  }
0xb3: {  	[dreg:$0x0] =	wrdreg $0x60  }
0xb4: {  	[dreg:$0x2] =	wrdreg s15  }
0xb5: {  	[dreg:$0x3] =	wrdreg s24  }
0xb6: {  	[dreg:$0x4] =	wrdreg s16  }
0xb7: {  	[dreg:$0x5] =	wrdreg $0x9  }
0xb8: {  	_ =	task.clear_ibuf [dreg:s8], $0x6FFFF;
	_ =	strace $0x90000046  }
0xb9: {  	s29 =	simm.s32 $0x9;
	_ =	strace $0x80000048  }
0xba: {  	_ =	swait.ge [sflag:s29], $0x1  }
0xbb: {  	[sflag:s29] =	ssyncadd.s32 $0xFFFFFFFF  }
0xbc: {  	_ =	strace $0x90000048  }
0xbd: {  	_ =	sfence  }
0xbe: {  	s30 =	sld [smem:$0x0];
	_ =	sdelay $0x2  }
0xbf: {  	s31 =	sshll.u32 s1, $0xD;
	s1 =	sshrl.u32 s1, $0x2  }
0xc0: {  	s3 =	sand.u32 $0x4000, s31;
	s1 =	sadd.s32 s1, s30  }
0xc1: {  	s0 =	sor.u32 s3, s0;
	s1 =	sshll.u32 s1, $0x11  }
0xc2: {  	s0 =	sor.u32 s1, s0  }
0xc3: {  	s0 =	sadd.s32 $0x8F2B, s0  }
0xc4: {  	[sflag:s0] =	ssyncadd.remote.s32 $0x1  }
0xc5: {  	_ =	sfence.sel $0xFFFF  }
0xc6: {  	[dreg:$0x0] =	wrdreg $0xFFFFFFFF;
	(pc) =	sbr.abs _section_cstart, $3  }
0xc7: {  	[dreg:$0x1] =	wrdreg $0xFFFFFFFF  }
0xc8: {  	_ =	task.clear_ibuf [dreg:s8], $0x2FFFF;
	_ =	strace $0x9FFFFFFF  }
0xc9: {  	(tm) =	ssettm $0x7FFFFFFF  }
tec
execute0_lowered:
.L_overlay_start_1:
0x0: {  	(tag) =	ssettag $0x1  }
0x1: {  	s0 =	rddreg [dreg:$0x0]  }
0x2: {  	s1 =	rddreg [dreg:$0x1]  }
0x3: {  	s2 =	rddreg [dreg:$0x2];
	s3 =	srdreg.scid  }
0x4: {  	s4 =	stileid.u32;
	s6 =	simm.s32 $0x0;
	s14 =	simm.s32 $0x5  }
0x5: {  	s15 =	simm.s32 $0x80;
	s16 =	simm.s32 $0x200;
	s17 =	simm.s32 $0x400  }
0x6: {  	s18 =	simm.s32 $0x100;
	s19 =	simm.s32 $0x4100;
	s20 =	simm.s32 $0x1  }
0x7: {  	s21 =	simm.s32 $0x8100;
	s22 =	simm.s32 $0x2;
	s23 =	simm.s32 $0x4  }
0x8: {  	s24 =	simm.s32 $0xC100;
	s25 =	simm.s32 $0x3;
	s26 =	simm.s32 $0x0  }
0x9: {  	s3 =	sand.u32 $0x1, s3;
	s4 =	sshll.u32 s4, $0x9;
	[smem:$0x7FF] =	sst s6  }
0xa: {  	s30 =	sadd.s32 $0x600, s1;
	s7 =	sadd.s32 $0x800, s1;
	s11 =	sadd.s32 $0x40, s2  }
.Ltmp0:
0xb: {  	s5 =	sshll.u32 s3, $0x8;
	s3 =	ssub.s32 $0x2, s3;
	(pc) =	sbr.rel .LBB2_1-.Ltmp0, $4  }
0xc: {  	_ =	strace $0x80000047;
	s5 =	sor.u32 s5, s4;
	s8 =	sshrl.u32 s3, $0x1  }
0xd: {  	[dreg:$0x4] =	wrdreg s30;
	s4 =	sshll.u32 s5, $0x9;
	s31 =	ssub.s32 s3, s8  }
0xe: {  	s9 =	sshrl.u32 s5, $0x3;
	s6 =	sadd.s32 s0, s4;
	s13 =	smax.u32 s31, $0x1  }
0xf: {  	s8 =	sadd.s32 $0x40, s6;
	s10 =	sadd.s32 $0x1000, s6;
	s12 =	sadd.s32 $0x1040, s6  }
.LBB2_24:
0x10: {  	s26 =	sadd.s32 $0x1, s26  }
0x11: {  	_ =	swait.ge [sflag:s25], $0x4000;
	p0 =	sne.s32 s26, s13  }
.Ltmp1:
0x12: {  	[sflag:s25] =	ssyncset.done $0x0;
	(pc) =	sbr.rel @!p0 .LBB2_25-.Ltmp1, $4  }
0x13: {  	[sflag:s25] =	ssyncadd.s32 $0xFFFFC000  }
0x14: {  	_ =	swait.ge [sflag:s23], $0x4000  }
0x15: {  	[sflag:s23] =	ssyncset.done $0x0  }
0x16: {  	[sflag:s23] =	ssyncadd.s32 $0xFFFFC000  }
.LBB2_1:
0x17: {  	s0 =	simm.s32 $0x0;
	s1 =	rddreg [dreg:$0x4]  }
0x18: {  	[tilespmem:s0], [sflag:$0x5] =	stream.linear.gather [hbm4b:s1+s0], $0x80, $0x38;
	[tilespmem:$0x10100] =	vst v63  }
0x19: {  	_ =	swait.ge [sflag:s14], $0x80  }
0x1a: {  	[sflag:s14] =	ssyncset.done $0x0  }
0x1b: {  	[sflag:s14] =	ssyncadd.s32 $0xFFFFFF80  }
0x1c: {  	[tilespmem:s15], [sflag:$0x5] =	stream.linear.gather [hbm4b:s7+s0], $0x80, $0x38;
	[tilespmem:$0x10100] =	vst v63  }
0x1d: {  	_ =	swait.ge [sflag:s14], $0x80  }
0x1e: {  	[sflag:s14] =	ssyncset.done $0x0  }
0x1f: {  	[sflag:s14] =	ssyncadd.s32 $0xFFFFFF80  }
0x20: {  	v0 =	vld [tilespmem:$0x0]  }
0x21: {  	[tilespmem:s18], [sflag:$0x1] =	stream.strided.gather [hbm4b:s6+s16], $0x4000, s17, s16, $0x38;
	[tilespmem:$0x10100] =	vst v63  }
0x22: {  	s28 =	simm.s32 $0x0  }
0x23: {  	[tilespmem:s19], [sflag:$0x2] =	stream.strided.gather [hbm4b:s8+s16], $0x4000, s17, s16, $0x38;
	[tilespmem:$0x10100] =	vst v63  }
.LBB2_2:
0x24: {  	_ =	swait.ge [sflag:s20], $0x4000  }
0x25: {  	p0 =	seq.s32 s28, $0x0;
	[sflag:s20] =	ssyncset.done $0x0  }
0x26: {  	s0 =	simm.s32 @!p0 $0x3;
	[sflag:s20] =	ssyncadd.s32 $0xFFFFC000  }
0x27: {  	_ =	swait.ge @!p0 [sflag:s0], $0x4000  }
0x28: {  	[sflag:s0] =	ssyncset.done @!p0 $0x0  }
0x29: {  	s5 =	simm.s32 $0x140;
	[sflag:s0] =	ssyncadd.s32 @!p0 $0xFFFFC000  }
0x2a: {  	v3 =	vld [tilespmem:s5+$0x30]  }
0x2b: {  	v4 =	vld [tilespmem:s5+$0xFFFFFFD0];
	_ =	sdelay $0x1  }
0x2c: {  	v6 =	vld [tilespmem:s5+$0xFFFFFFC0];
	_ =	sdelay $0x1  }
0x2d: {  	v8 =	vld [tilespmem:s5+$0x20];
	v1 =	vand.u32 $0x7FFFFFFF, v3  }
0x2e: {  	v2 =	vand.u32 $0x7FFFFFFF, v4;
	v1 =	vmul.f32 v1, v0  }
0x2f: {  	v2 =	vmul.f32 v2, v0  }
0x30: {  	v5 =	vand.u32 $0x7FFFFFFF, v6;
	v1 =	vmin.f32 v1, $1.270000000e+02  }
0x31: {  	v5 =	vmul.f32 v5, v0;
	v2 =	vmin.f32 v2, $1.270000000e+02;
	v1 =	vtrunc.f32 v1  }
0x32: {  	v9 =	vld [tilespmem:s5+$0xFFFFFFE0];
	v12 =	vand.u32 $0x7FFFFFFF, v8;
	v2 =	vtrunc.f32 v2;
	v1 =	vcvt.f32.s32 v1  }
0x33: {  	v7 =	vld [tilespmem:s5+$0x10];
	v12 =	vmul.f32 v12, v0;
	v5 =	vmin.f32 v5, $1.270000000e+02;
	v2 =	vcvt.f32.s32 v2  }
0x34: {  	v10 =	vld [tilespmem:s5+$0x0];
	v5 =	vtrunc.f32 v5  }
0x35: {  	v11 =	vld [tilespmem:s5+$0xFFFFFFF0];
	v12 =	vmin.f32 v12, $1.270000000e+02;
	v5 =	vcvt.f32.s32 v5  }
0x36: {  	s31 =	simm.s32 $0x340;
	v12 =	vtrunc.f32 v12  }
0x37: {  	vm3 =	vlt.f32 v6, $0.0e+00;
	v6 =	vld [tilespmem:s31+$0x0];
	v12 =	vcvt.f32.s32 v12  }
0x38: {  	v13 =	vand.u32 $0x7FFFFFFF, v9;
	v17 =	vld.idx.msk [tilespmem:v1+s15+$0x0], $0xffff  }
0x39: {  	v14 =	vand.u32 $0x7FFFFFFF, v7;
	v15 =	vand.u32 $0x7FFFFFFF, v10;
	v13 =	vmul.f32 v13, v0;
	v18 =	vld.idx.msk [tilespmem:v2+s15+$0x0], $0xffff  }
0x3a: {  	v16 =	vand.u32 $0x7FFFFFFF, v11;
	vm0 =	vlt.f32 v7, $0.0e+00;
	v15 =	vmul.f32 v15, v0;
	v2 =	vld [tilespmem:s31+$0xFFFFFFD0]  }
0x3b: {  	v14 =	vmul.f32 v14, v0;
	v13 =	vmin.f32 v13, $1.270000000e+02;
	v1 =	vmul.f32 v16, v0;
	v16 =	vld.idx.msk [tilespmem:v5+s15+$0x0], $0xffff  }
0x3c: {  	vm1 =	vlt.f32 v4, $0.0e+00;
	vm2 =	vlt.f32 v3, $0.0e+00;
	v13 =	vtrunc.f32 v13;
	v5 =	vld [tilespmem:s31+$0x30]  }
0x3d: {  	v15 =	vmin.f32 v15, $1.270000000e+02;
	v14 =	vmin.f32 v14, $1.270000000e+02;
	v13 =	vcvt.f32.s32 v13;
	v12 =	vld.idx.msk [tilespmem:v12+s15+$0x0], $0xffff  }
0x3e: {  	vm4 =	vlt.f32 v8, $0.0e+00;
	v15 =	vtrunc.f32 v15;
	v14 =	vtrunc.f32 v14  }
0x3f: {  	v14 =	vcvt.f32.s32 v14;
	v15 =	vcvt.f32.s32 v15;
	v1 =	vmin.f32 v1, $1.270000000e+02  }
0x40: {  	v23 =	vand.u32 $0x7FFFFFFF, v6;
	v19 =	vtrunc.f32 v1;
	v1 =	vld [tilespmem:s31+$0xFFFFFFC0];
	v21 =	vsub.f32 $0.0e+00, v18  }
0x41: {  	v19 =	vcvt.f32.s32 v19;
	v20 =	vsub.f32 $0.0e+00, v17;
	v7 =	vand.u32 $0x7FFFFFFF, v2  }
0x42: {  	v4 =	vld [tilespmem:s31+$0x20];
	v3 =	vand.u32 $0x7FFFFFFF, v5;
	v8 =	vsub.f32 $0.0e+00, v12;
	v18 =	vsel vm1, v21, v18  }
0x43: {  	v13 =	vld.idx.msk [tilespmem:v13+s15+$0x0], $0xffff;
	vm1 =	vlt.f32 v11, $0.0e+00;
	v11 =	vsel vm2, v20, v17;
	v17 =	vsub.f32 $0.0e+00, v16  }
0x44: {  	v59 =	vmul.f32 v3, v0;
	vm2 =	vlt.f32 v10, $0.0e+00;
	v20 =	vmul.f32 v7, v0;
	v7 =	vld [tilespmem:s31+$0xFFFFFFE0]  }
0x45: {  	v15 =	vld.idx.msk [tilespmem:v15+s15+$0x0], $0xffff;
	v10 =	vand.u32 $0x7FFFFFFF, v1;
	v16 =	vsel vm3, v17, v16;
	vm3 =	vlt.f32 v9, $0.0e+00  }
0x46: {  	v3 =	vld [tilespmem:s31+$0x10];
	v9 =	vmin.f32 v20, $1.270000000e+02;
	v17 =	vmin.f32 v59, $1.270000000e+02;
	v10 =	vmul.f32 v10, v0  }
0x47: {  	v12 =	vsel vm4, v8, v12;
	v8 =	vld [tilespmem:s31+$0xFFFFFFF0];
	v9 =	vtrunc.f32 v9;
	v17 =	vtrunc.f32 v17  }
0x48: {  	v20 =	vld.idx.msk [tilespmem:v19+s15+$0x0], $0xffff;
	v19 =	vsub.f32 $0.0e+00, v13;
	v60 =	vcvt.f32.s32 v9;
	v17 =	vcvt.f32.s32 v17  }
0x49: {  	s0 =	simm.s32 $0x8140;
	v9 =	vld.idx.msk [tilespmem:v14+s15+$0x0], $0xffff;
	v10 =	vmin.f32 v10, $1.270000000e+02;
	v14 =	vmul.f32 v23, v0;
	v22 =	vand.u32 $0x7FFFFFFF, v7  }
0x4a: {  	[tilespmem:s0+$0xFFFFFFD0] =	vst v18;
	v19 =	vsel vm3, v19, v13;
	v13 =	vand.u32 $0x7FFFFFFF, v4;
	v10 =	vtrunc.f32 v10  }
0x4b: {  	[tilespmem:s0+$0x30] =	vst v11;
	v11 =	vsub.f32 $0.0e+00, v15;
	v22 =	vmul.f32 v22, v0;
	v61 =	vmul.f32 v13, v0  }
0x4c: {  	[tilespmem:s0+$0xFFFFFFC0] =	vst v16;
	v18 =	vand.u32 $0x7FFFFFFF, v3;
	v62 =	vand.u32 $0x7FFFFFFF, v8;
	v13 =	vcvt.f32.s32 v10  }
0x4d: {  	[tilespmem:s0+$0xFFFFFFE0] =	vst v19;
	v19 =	vmul.f32 v62, v0;
	v10 =	vmin.f32 v22, $1.270000000e+02;
	v16 =	vmin.f32 v61, $1.270000000e+02  }
0x4e: {  	[tilespmem:s0+$0x20] =	vst v12;
	v63 =	vsub.f32 $0.0e+00, v20;
	v12 =	vtrunc.f32 v10;
	v16 =	vtrunc.f32 v16  }
0x4f: {  	s29 =	sshll.u32 s28, $0xC;
	s30 =	sadd.s32 s9, s28;
	v10 =	vld.idx.msk [tilespmem:v17+s15+$0x0], $0xffff;
	v17 =	vsel vm2, v11, v15;
	v15 =	vcvt.f32.s32 v16;
	v16 =	vsub.f32 $0.0e+00, v9  }
0x50: {  	s3 =	simm.s32 $0x80;
	s1 =	simm.s32 $0x8140;
	s5 =	simm.s32 $0x540;
	v11 =	vld.idx.msk [tilespmem:v60+s15+$0x0], $0xffff;
	v12 =	vcvt.f32.s32 v12;
	[tilespmem:s0+$0x0] =	vst v17;
	v17 =	vmul.f32 v18, v0;
	v18 =	vsel vm1, v63, v20  }
.LBB2_3:
0x51: {  	v20 =	vld [tilespmem:s5+$0xFFFFFFD0];
	s3 =	sadd.s32 $0x80, s3;
	v14 =	vmin.f32 v14, $1.270000000e+02;
	[tilespmem:s0+$0xFFFFFFF0] =	vst v18;
	v9 =	vsel vm0, v16, v9;
	s1 =	sadd.s32 $0x200, s1;
	s31 =	simm.s32 $0x81F0  }
0x52: {  	p1 =	slt.u32 s3, $0xF80;
	v13 =	vld.idx.msk [tilespmem:v13+s15+$0x0], $0xffff;
	v16 =	vmin.f32 v19, $1.270000000e+02;
	v14 =	vtrunc.f32 v14;
	v17 =	vmin.f32 v17, $1.270000000e+02;
	[tilespmem:s0+$0x10] =	vst v9;
	s0 =	smov.u32 s1  }
0x53: {  	v9 =	vld [tilespmem:s5+$0x30];
	v16 =	vtrunc.f32 v16;
	v17 =	vtrunc.f32 v17  }
0x54: {  	v19 =	vsub.f32 $0.0e+00, v10;
	v18 =	vld [tilespmem:s5+$0xFFFFFFC0];
	v16 =	vcvt.f32.s32 v16;
	v17 =	vcvt.f32.s32 v17  }
0x55: {  	vm0 =	vlt.f32 v3, $0.0e+00;
	v14 =	vcvt.f32.s32 v14;
	v21 =	vsub.f32 $0.0e+00, v11;
	v15 =	vld.idx.msk [tilespmem:v15+s15+$0x0], $0xffff  }
0x56: {  	vm1 =	vlt.f32 v2, $0.0e+00;
	vm2 =	vlt.f32 v5, $0.0e+00;
	v22 =	vand.u32 $0x7FFFFFFF, v20;
	v3 =	vld [tilespmem:s5+$0x10];
	v2 =	vmovc v20  }
0x57: {  	v21 =	vsel vm1, v21, v11;
	vm1 =	vlt.f32 v8, $0.0e+00;
	v8 =	vsel vm2, v19, v10;
	v20 =	vld [tilespmem:s5+$0x20]  }
0x58: {  	vm2 =	vlt.f32 v6, $0.0e+00;
	v11 =	vsub.f32 $0.0e+00, v13;
	v10 =	vand.u32 $0x7FFFFFFF, v9;
	[tilespmem:s1+$0xFFFFFFD0] =	vst v21;
	v12 =	vld.idx.msk [tilespmem:v12+s15+$0x0], $0xffff;
	v5 =	vmovc v9  }
0x59: {  	vm3 =	vlt.f32 v1, $0.0e+00;
	v19 =	vmul.f32 v22, v0;
	v9 =	vand.u32 $0x7FFFFFFF, v18;
	v21 =	vld [tilespmem:s5+$0xFFFFFFE0];
	[tilespmem:s1+$0x30] =	vst v8;
	v1 =	vmovc v18  }
0x5a: {  	v8 =	vmul.f32 v10, v0;
	v10 =	vsel vm3, v11, v13;
	vm3 =	vlt.f32 v7, $0.0e+00;
	v6 =	vld [tilespmem:s5+$0x0]  }
0x5b: {  	vm4 =	vlt.f32 v4, $0.0e+00;
	v7 =	vmin.f32 v19, $1.270000000e+02;
	[tilespmem:s1+$0xFFFFFFC0] =	vst v10;
	v11 =	vld.idx.msk [tilespmem:v14+s15+$0x0], $0xffff;
	v10 =	vsub.f32 $0.0e+00, v15  }
0x5c: {  	v23 =	vtrunc.f32 v7;
	v18 =	vand.u32 $0x7FFFFFFF, v3;
	v13 =	vmin.f32 v8, $1.270000000e+02;
	v22 =	vld.idx.msk [tilespmem:v16+s15+$0x0], $0xffff;
	v4 =	vmovc v20  }
0x5d: {  	v14 =	vmul.f32 v9, v0;
	v9 =	vtrunc.f32 v13;
	v8 =	vld [tilespmem:s5+$0xFFFFFFF0];
	v10 =	vsel vm4, v10, v15  }
0x5e: {  	v15 =	vcvt.f32.s32 v23;
	v16 =	vcvt.f32.s32 v9;
	v19 =	vsub.f32 $0.0e+00, v12;
	v9 =	vld.idx.msk [tilespmem:v17+s15+$0x0], $0xffff;
	v7 =	vmovc v21  }
0x5f: {  	v20 =	vand.u32 $0x7FFFFFFF, v4;
	v13 =	vand.u32 $0x7FFFFFFF, v7;
	v17 =	vand.u32 $0x7FFFFFFF, v6;
	[tilespmem:s1+$0x20] =	vst v10  }
0x60: {  	v10 =	vmin.f32 v14, $1.270000000e+02;
	v21 =	vmul.f32 v13, v0;
	v14 =	vmul.f32 v17, v0  }
0x61: {  	v10 =	vtrunc.f32 v10;
	v17 =	vmul.f32 v20, v0;
	v20 =	vsub.f32 $0.0e+00, v11  }
.Ltmp2:
0x62: {  	v12 =	vsel vm3, v19, v12;
	v13 =	vcvt.f32.s32 v10;
	v10 =	vmin.f32 v21, $1.270000000e+02;
	(pc) =	sbr.rel @p1 .LBB2_3-.Ltmp2, $4  }
0x63: {  	v19 =	vand.u32 $0x7FFFFFFF, v8;
	v17 =	vmin.f32 v17, $1.270000000e+02;
	v21 =	vsub.f32 $0.0e+00, v22  }
0x64: {  	v23 =	vtrunc.f32 v10;
	v17 =	vtrunc.f32 v17;
	v10 =	vld.idx.msk [tilespmem:v16+s15+$0x0], $0xffff;
	[tilespmem:s1+$0xFFFFFFE0] =	vst v12;
	v16 =	vsel vm2, v20, v11  }
0x65: {  	v12 =	vcvt.f32.s32 v23;
	v11 =	vld.idx.msk [tilespmem:v15+s15+$0x0], $0xffff;
	v15 =	vcvt.f32.s32 v17;
	[tilespmem:s1+$0x0] =	vst v16;
	v16 =	vsub.f32 $0.0e+00, v9  }
0x66: {  	s5 =	sadd.s32 $0x200, s5;
	v19 =	vmul.f32 v19, v0;
	v17 =	vmul.f32 v18, v0;
	v18 =	vsel vm1, v21, v22  }
0x67: {  	v14 =	vmin.f32 v14, $1.270000000e+02  }
0x68: {  	v19 =	vmin.f32 v19, $1.270000000e+02;
	v14 =	vtrunc.f32 v14  }
0x69: {  	v17 =	vmin.f32 v17, $1.270000000e+02;
	v19 =	vtrunc.f32 v19;
	v14 =	vcvt.f32.s32 v14  }
0x6a: {  	v17 =	vtrunc.f32 v17;
	v19 =	vcvt.f32.s32 v19  }
0x6b: {  	v17 =	vcvt.f32.s32 v17  }
0x6c: {  	v13 =	vld.idx.msk [tilespmem:v13+s15+$0x0], $0xffff  }
0x6d: {  	v15 =	vld.idx.msk [tilespmem:v15+s15+$0x0], $0xffff  }
0x6e: {  	v12 =	vld.idx.msk [tilespmem:v12+s15+$0x0], $0xffff  }
0x6f: {  	v9 =	vsel vm0, v16, v9;
	v16 =	vsub.f32 $0.0e+00, v10;
	v20 =	vsub.f32 $0.0e+00, v11;
	v14 =	vld.idx.msk [tilespmem:v14+s15+$0x0], $0xffff  }
0x70: {  	[tilespmem:s0+$0xFFFFFFF0] =	vst v18;
	vm0 =	vlt.f32 v2, $0.0e+00;
	vm1 =	vlt.f32 v5, $0.0e+00;
	v2 =	vld.idx.msk [tilespmem:v19+s15+$0x0], $0xffff  }
0x71: {  	s1 =	sadd.s32 $0x200, s1;
	[tilespmem:s0+$0x10] =	vst v9;
	v10 =	vsel vm1, v16, v10;
	v5 =	vsel vm0, v20, v11;
	v9 =	vsub.f32 $0.0e+00, v13;
	v11 =	vld.idx.msk [tilespmem:v17+s15+$0x0], $0xffff  }
0x72: {  	vm0 =	vlt.f32 v1, $0.0e+00;
	v1 =	vsub.f32 $0.0e+00, v15;
	[tilespmem:s1+$0x30] =	vst v10  }
0x73: {  	[tilespmem:s1+$0xFFFFFFD0] =	vst v5;
	v5 =	vsel vm0, v9, v13;
	vm0 =	vlt.f32 v4, $0.0e+00;
	v4 =	vsub.f32 $0.0e+00, v12  }
0x74: {  	vm1 =	vlt.f32 v7, $0.0e+00;
	[tilespmem:s1+$0xFFFFFFC0] =	vst v5;
	v1 =	vsel vm0, v1, v15;
	v5 =	vsub.f32 $0.0e+00, v14  }
0x75: {  	vm0 =	vlt.f32 v6, $0.0e+00;
	[tilespmem:s1+$0x20] =	vst v1;
	v1 =	vsel vm1, v4, v12;
	v4 =	vsub.f32 $0.0e+00, v2  }
0x76: {  	vm1 =	vlt.f32 v8, $0.0e+00;
	[tilespmem:s1+$0xFFFFFFE0] =	vst v1;
	v1 =	vsel vm0, v5, v14;
	v5 =	vsub.f32 $0.0e+00, v11  }
0x77: {  	vm0 =	vlt.f32 v3, $0.0e+00;
	[tilespmem:s1+$0x0] =	vst v1;
	v1 =	vsel vm1, v4, v2  }
0x78: {  	[tilespmem:s1+$0xFFFFFFF0] =	vst v1;
	v1 =	vsel vm0, v5, v11  }
0x79: {  	s3 =	simm.s32 $0x1F0;
	[tilespmem:s1+$0x10] =	vst v1  }
0x7a: {  	v3 =	vld [tilespmem:s3+$0x0]  }
0x7b: {  	v5 =	vld [tilespmem:s3+$0xFFFFFFA0];
	_ =	sdelay $0x1  }
0x7c: {  	v7 =	vld [tilespmem:s3+$0xFFFFFF90];
	_ =	sdelay $0x1  }
0x7d: {  	v1 =	vand.u32 $0x7FFFFFFF, v3  }
0x7e: {  	v2 =	vand.u32 $0x7FFFFFFF, v5;
	v1 =	vmul.f32 v1, v0  }
0x7f: {  	v9 =	vld [tilespmem:s3+$0xFFFFFFF0];
	v2 =	vmul.f32 v2, v0  }
0x80: {  	v10 =	vld [tilespmem:s3+$0xFFFFFFB0];
	v4 =	vand.u32 $0x7FFFFFFF, v7;
	v1 =	vmin.f32 v1, $1.270000000e+02  }
0x81: {  	v11 =	vld [tilespmem:s3+$0xFFFFFFD0];
	v4 =	vmul.f32 v4, v0;
	v2 =	vmin.f32 v2, $1.270000000e+02;
	v1 =	vtrunc.f32 v1  }
0x82: {  	v12 =	vld [tilespmem:s3+$0xFFFFFFC0];
	v2 =	vtrunc.f32 v2;
	v1 =	vcvt.f32.s32 v1  }
0x83: {  	v2 =	vcvt.f32.s32 v2  }
0x84: {  	v14 =	vld [tilespmem:s3+$0xFFFFFFE0];
	v4 =	vmin.f32 v4, $1.270000000e+02  }
0x85: {  	v6 =	vand.u32 $0x7FFFFFFF, v9;
	v4 =	vtrunc.f32 v4  }
0x86: {  	v6 =	vmul.f32 v6, v0;
	v4 =	vcvt.f32.s32 v4  }
0x87: {  	v8 =	vand.u32 $0x7FFFFFFF, v10;
	v13 =	vand.u32 $0x7FFFFFFF, v11;
	v15 =	vand.u32 $0x7FFFFFFF, v12  }
0x88: {  	vm1 =	vlt.f32 v5, $0.0e+00;
	v8 =	vmul.f32 v8, v0;
	v6 =	vmin.f32 v6, $1.270000000e+02;
	v16 =	vld.idx.msk [tilespmem:v1+s15+$0x0], $0xffff  }
0x89: {  	s5 =	simm.s32 $0x3F0;
	vm0 =	vlt.f32 v14, $0.0e+00;
	v13 =	vmul.f32 v13, v0;
	v6 =	vtrunc.f32 v6;
	v17 =	vld.idx.msk [tilespmem:v2+s15+$0x0], $0xffff  }
0x8a: {  	v6 =	vcvt.f32.s32 v6;
	v1 =	vmin.f32 v8, $1.270000000e+02;
	v8 =	vmul.f32 v15, v0;
	v2 =	vld [tilespmem:s5+$0xFFFFFFA0]  }
0x8b: {  	vm2 =	vlt.f32 v3, $0.0e+00;
	vm3 =	vlt.f32 v10, $0.0e+00;
	v1 =	vtrunc.f32 v1  }
0x8c: {  	v13 =	vmin.f32 v13, $1.270000000e+02;
	v18 =	vld.idx.msk [tilespmem:v4+s15+$0x0], $0xffff;
	v15 =	vcvt.f32.s32 v1;
	v1 =	vmin.f32 v8, $1.270000000e+02  }
0x8d: {  	v4 =	vld [tilespmem:s5+$0x0];
	v8 =	vtrunc.f32 v13;
	v13 =	vand.u32 $0x7FFFFFFF, v14;
	v19 =	vtrunc.f32 v1  }
0x8e: {  	vm4 =	vlt.f32 v11, $0.0e+00;
	v20 =	vcvt.f32.s32 v8;
	v1 =	vld [tilespmem:s5+$0xFFFFFF90];
	v8 =	vmul.f32 v13, v0  }
0x8f: {  	v13 =	vsub.f32 $0.0e+00, v16;
	v5 =	vsub.f32 $0.0e+00, v17;
	v14 =	vand.u32 $0x7FFFFFFF, v2  }
0x90: {  	v19 =	vcvt.f32.s32 v19;
	v21 =	vmin.f32 v8, $1.270000000e+02;
	v8 =	vld.idx.msk [tilespmem:v6+s15+$0x0], $0xffff;
	v14 =	vmul.f32 v14, v0  }
0x91: {  	v6 =	vld [tilespmem:s5+$0xFFFFFFC0];
	v17 =	vsel vm1, v5, v17;
	v5 =	vtrunc.f32 v21;
	v13 =	vsel vm2, v13, v16  }
0x92: {  	v3 =	vld [tilespmem:s5+$0xFFFFFFB0];
	v16 =	vand.u32 $0x7FFFFFFF, v4;
	v21 =	vsub.f32 $0.0e+00, v18;
	vm1 =	vlt.f32 v7, $0.0e+00  }
0x93: {  	v22 =	vcvt.f32.s32 v5;
	v23 =	vand.u32 $0x7FFFFFFF, v1;
	v15 =	vld.idx.msk [tilespmem:v15+s15+$0x0], $0xffff;
	v7 =	vmul.f32 v16, v0  }
0x94: {  	v5 =	vld [tilespmem:s5+$0xFFFFFFF0];
	v18 =	vsel vm1, v21, v18;
	vm1 =	vlt.f32 v9, $0.0e+00;
	v9 =	vmin.f32 v14, $1.270000000e+02  }
0x95: {  	vm2 =	vlt.f32 v12, $0.0e+00;
	v14 =	vld.idx.msk [tilespmem:v20+s15+$0x0], $0xffff;
	v16 =	vmul.f32 v23, v0;
	v9 =	vtrunc.f32 v9  }
0x96: {  	v12 =	vmin.f32 v7, $1.270000000e+02;
	v10 =	vsub.f32 $0.0e+00, v8;
	v7 =	vld [tilespmem:s5+$0xFFFFFFD0];
	v21 =	vand.u32 $0x7FFFFFFF, v6  }
0x97: {  	v12 =	vtrunc.f32 v12;
	v20 =	vcvt.f32.s32 v9;
	v9 =	vand.u32 $0x7FFFFFFF, v3  }
0x98: {  	v23 =	vld.idx.msk [tilespmem:v19+s15+$0x0], $0xffff;
	v16 =	vmin.f32 v16, $1.270000000e+02;
	v11 =	vcvt.f32.s32 v12;
	v19 =	vsub.f32 $0.0e+00, v15  }
0x99: {  	v24 =	vmul.f32 v9, v0;
	v16 =	vtrunc.f32 v16;
	v12 =	vld.idx.msk [tilespmem:v22+s15+$0x0], $0xffff;
	v22 =	vand.u32 $0x7FFFFFFF, v5  }
0x9a: {  	v9 =	vld [tilespmem:s5+$0xFFFFFFE0];
	v15 =	vsel vm3, v19, v15;
	v19 =	vmul.f32 v22, v0;
	v22 =	vsub.f32 $0.0e+00, v14  }
0x9b: {  	[tilespmem:s31+$0xFFFFFFA0] =	vst v17;
	v16 =	vcvt.f32.s32 v16;
	v24 =	vmin.f32 v24, $1.270000000e+02;
	v17 =	vand.u32 $0x7FFFFFFF, v7  }
0x9c: {  	[tilespmem:s31+$0x0] =	vst v13;
	v17 =	vmul.f32 v17, v0;
	v13 =	vmin.f32 v19, $1.270000000e+02;
	v19 =	vsel vm4, v22, v14  }
0x9d: {  	[tilespmem:s31+$0xFFFFFF90] =	vst v18;
	v14 =	vtrunc.f32 v24;
	v22 =	vsub.f32 $0.0e+00, v23;
	v18 =	vtrunc.f32 v13  }
0x9e: {  	[tilespmem:s31+$0xFFFFFFB0] =	vst v15;
	v11 =	vld.idx.msk [tilespmem:v11+s15+$0x0], $0xffff;
	v13 =	vcvt.f32.s32 v14;
	v15 =	vcvt.f32.s32 v18;
	v18 =	vsub.f32 $0.0e+00, v12  }
0x9f: {  	s0 =	simm.s32 $0x81F0;
	s1 =	simm.s32 $0x80;
	s3 =	simm.s32 $0x5F0;
	v14 =	vld.idx.msk [tilespmem:v20+s15+$0x0], $0xffff;
	[tilespmem:s31+$0xFFFFFFD0] =	vst v19;
	v20 =	vmul.f32 v21, v0;
	v19 =	vand.u32 $0x7FFFFFFF, v9;
	v21 =	vsel vm2, v22, v23  }
.LBB2_5:
0xa0: {  	v22 =	vld [tilespmem:s3+$0xFFFFFFA0];
	s1 =	sadd.s32 $0x80, s1;
	v17 =	vmin.f32 v17, $1.270000000e+02;
	[tilespmem:s31+$0xFFFFFFC0] =	vst v21;
	v12 =	vsel vm0, v18, v12;
	v8 =	vsel vm1, v10, v8;
	s0 =	sadd.s32 $0x200, s0  }
0xa1: {  	p1 =	slt.u32 s1, $0xF80;
	v10 =	vld.idx.msk [tilespmem:v16+s15+$0x0], $0xffff;
	v16 =	vmin.f32 v20, $1.270000000e+02;
	v17 =	vtrunc.f32 v17;
	[tilespmem:s31+$0xFFFFFFE0] =	vst v12  }
0xa2: {  	v12 =	vld [tilespmem:s3+$0x0];
	v16 =	vtrunc.f32 v16;
	v17 =	vcvt.f32.s32 v17;
	[tilespmem:s31+$0xFFFFFFF0] =	vst v8;
	s31 =	smov.u32 s0  }
0xa3: {  	v8 =	vmul.f32 v19, v0;
	v19 =	vsub.f32 $0.0e+00, v11;
	v18 =	vld [tilespmem:s3+$0xFFFFFF90];
	v16 =	vcvt.f32.s32 v16  }
0xa4: {  	vm1 =	vlt.f32 v2, $0.0e+00;
	vm0 =	vlt.f32 v9, $0.0e+00;
	v21 =	vsub.f32 $0.0e+00, v14;
	v20 =	vld [tilespmem:s3+$0xFFFFFFB0]  }
0xa5: {  	vm2 =	vlt.f32 v4, $0.0e+00;
	v23 =	vmin.f32 v8, $1.270000000e+02;
	v9 =	vand.u32 $0x7FFFFFFF, v22;
	v8 =	vld.idx.msk [tilespmem:v15+s15+$0x0], $0xffff;
	v2 =	vmovc v22  }
0xa6: {  	v11 =	vsel vm2, v19, v11;
	v24 =	vsel vm1, v21, v14;
	v14 =	vtrunc.f32 v23;
	v15 =	vld [tilespmem:s3+$0xFFFFFFF0]  }
0xa7: {  	v22 =	vsub.f32 $0.0e+00, v10;
	v14 =	vcvt.f32.s32 v14;
	v19 =	vld [tilespmem:s3+$0xFFFFFFC0];
	v21 =	vand.u32 $0x7FFFFFFF, v12;
	[tilespmem:s0+$0xFFFFFFA0] =	vst v24;
	v4 =	vmovc v12  }
0xa8: {  	vm1 =	vlt.f32 v1, $0.0e+00;
	v9 =	vmul.f32 v9, v0;
	v12 =	vand.u32 $0x7FFFFFFF, v18;
	v13 =	vld.idx.msk [tilespmem:v13+s15+$0x0], $0xffff;
	[tilespmem:s0+$0x0] =	vst v11;
	v1 =	vmovc v18  }
0xa9: {  	v18 =	vmul.f32 v21, v0;
	v10 =	vsel vm1, v22, v10;
	vm1 =	vlt.f32 v5, $0.0e+00;
	v11 =	vld [tilespmem:s3+$0xFFFFFFD0]  }
0xaa: {  	vm3 =	vlt.f32 v3, $0.0e+00;
	vm2 =	vlt.f32 v6, $0.0e+00;
	v22 =	vmin.f32 v9, $1.270000000e+02;
	v3 =	vmovc v20;
	[tilespmem:s0+$0xFFFFFF90] =	vst v10;
	v21 =	vld.idx.msk [tilespmem:v17+s15+$0x0], $0xffff  }
0xab: {  	v9 =	vtrunc.f32 v22;
	v17 =	vmin.f32 v18, $1.270000000e+02;
	v10 =	vsub.f32 $0.0e+00, v8;
	v5 =	vmovc v15  }
0xac: {  	vm4 =	vlt.f32 v7, $0.0e+00;
	v15 =	vmul.f32 v12, v0;
	v12 =	vtrunc.f32 v17;
	v22 =	vld.idx.msk [tilespmem:v16+s15+$0x0], $0xffff;
	v6 =	vmovc v19  }
0xad: {  	v18 =	vcvt.f32.s32 v9;
	v20 =	vcvt.f32.s32 v12;
	v19 =	vand.u32 $0x7FFFFFFF, v6;
	v12 =	vld.idx.msk [tilespmem:v14+s15+$0x0], $0xffff  }
0xae: {  	v9 =	vand.u32 $0x7FFFFFFF, v3;
	v16 =	vand.u32 $0x7FFFFFFF, v5;
	v14 =	vand.u32 $0x7FFFFFFF, v11;
	v7 =	vmovc v11  }
0xaf: {  	v23 =	vsub.f32 $0.0e+00, v13;
	v11 =	vmin.f32 v15, $1.270000000e+02;
	v15 =	vmul.f32 v9, v0  }
0xb0: {  	v24 =	vmul.f32 v16, v0;
	v11 =	vtrunc.f32 v11;
	v25 =	vsub.f32 $0.0e+00, v21;
	v9 =	vld [tilespmem:s3+$0xFFFFFFE0]  }
.Ltmp3:
0xb1: {  	v17 =	vmul.f32 v14, v0;
	v16 =	vcvt.f32.s32 v11;
	v11 =	vmin.f32 v15, $1.270000000e+02;
	(pc) =	sbr.rel @p1 .LBB2_5-.Ltmp3, $4  }
0xb2: {  	v14 =	vmin.f32 v24, $1.270000000e+02;
	v13 =	vsel vm3, v23, v13;
	v21 =	vsel vm4, v25, v21  }
0xb3: {  	v23 =	vtrunc.f32 v14;
	v15 =	vtrunc.f32 v11;
	v24 =	vsub.f32 $0.0e+00, v22;
	v11 =	vld.idx.msk [tilespmem:v20+s15+$0x0], $0xffff;
	[tilespmem:s0+$0xFFFFFFB0] =	vst v13  }
0xb4: {  	v13 =	vcvt.f32.s32 v15;
	v15 =	vcvt.f32.s32 v23;
	v14 =	vld.idx.msk [tilespmem:v18+s15+$0x0], $0xffff;
	[tilespmem:s0+$0xFFFFFFD0] =	vst v21;
	v18 =	vsub.f32 $0.0e+00, v12  }
0xb5: {  	s3 =	sadd.s32 $0x200, s3;
	v20 =	vmul.f32 v19, v0;
	v21 =	vsel vm2, v24, v22;
	v19 =	vand.u32 $0x7FFFFFFF, v9  }
0xb6: {  	v17 =	vmin.f32 v17, $1.270000000e+02;
	v19 =	vmul.f32 v19, v0  }
0xb7: {  	v20 =	vmin.f32 v20, $1.270000000e+02;
	v17 =	vtrunc.f32 v17  }
0xb8: {  	v20 =	vtrunc.f32 v20;
	v17 =	vcvt.f32.s32 v17;
	v19 =	vmin.f32 v19, $1.270000000e+02  }
0xb9: {  	v20 =	vcvt.f32.s32 v20;
	v19 =	vtrunc.f32 v19  }
0xba: {  	v19 =	vcvt.f32.s32 v19;
	_ =	sdelay $0x1  }
0xbb: {  	v16 =	vld.idx.msk [tilespmem:v16+s15+$0x0], $0xffff  }
0xbc: {  	v13 =	vld.idx.msk [tilespmem:v13+s15+$0x0], $0xffff  }
0xbd: {  	v17 =	vld.idx.msk [tilespmem:v17+s15+$0x0], $0xffff  }
0xbe: {  	[tilespmem:s31+$0xFFFFFFC0] =	vst v21;
	v12 =	vsel vm0, v18, v12;
	v8 =	vsel vm1, v10, v8;
	v10 =	vsub.f32 $0.0e+00, v11;
	v20 =	vld.idx.msk [tilespmem:v20+s15+$0x0], $0xffff  }
0xbf: {  	vm0 =	vlt.f32 v2, $0.0e+00;
	vm1 =	vlt.f32 v4, $0.0e+00;
	[tilespmem:s31+$0xFFFFFFE0] =	vst v12;
	v18 =	vsub.f32 $0.0e+00, v14;
	v2 =	vld.idx.msk [tilespmem:v19+s15+$0x0], $0xffff  }
0xc0: {  	s0 =	sadd.s32 $0x200, s0;
	[tilespmem:s31+$0xFFFFFFF0] =	vst v8;
	v8 =	vld.idx.msk [tilespmem:v15+s15+$0x0], $0xffff;
	v10 =	vsel vm1, v10, v11;
	v12 =	vsub.f32 $0.0e+00, v16  }
0xc1: {  	v4 =	vsel vm0, v18, v14;
	vm0 =	vlt.f32 v1, $0.0e+00;
	v1 =	vsub.f32 $0.0e+00, v13;
	[tilespmem:s0+$0x0] =	vst v10  }
0xc2: {  	[tilespmem:s0+$0xFFFFFFA0] =	vst v4;
	v4 =	vsel vm0, v12, v16;
	vm0 =	vlt.f32 v3, $0.0e+00;
	v3 =	vsub.f32 $0.0e+00, v17  }
0xc3: {  	vm1 =	vlt.f32 v7, $0.0e+00;
	[tilespmem:s0+$0xFFFFFF90] =	vst v4;
	v1 =	vsel vm0, v1, v13;
	v4 =	vsub.f32 $0.0e+00, v20  }
0xc4: {  	vm0 =	vlt.f32 v6, $0.0e+00;
	[tilespmem:s0+$0xFFFFFFB0] =	vst v1;
	v3 =	vsel vm1, v3, v17;
	v1 =	vsub.f32 $0.0e+00, v2  }
0xc5: {  	v6 =	vsub.f32 $0.0e+00, v8;
	vm1 =	vlt.f32 v9, $0.0e+00;
	[tilespmem:s0+$0xFFFFFFD0] =	vst v3;
	v3 =	vsel vm0, v4, v20  }
0xc6: {  	vm0 =	vlt.f32 v5, $0.0e+00;
	[tilespmem:s0+$0xFFFFFFC0] =	vst v3;
	v1 =	vsel vm1, v1, v2  }
0xc7: {  	v2 =	vsel vm0, v6, v8;
	[tilespmem:s0+$0xFFFFFFE0] =	vst v1  }
0xc8: {  	s1 =	simm.s32 $0x270;
	[tilespmem:s0+$0xFFFFFFF0] =	vst v2  }
0xc9: {  	v3 =	vld [tilespmem:s1+$0x0]  }
0xca: {  	v4 =	vld [tilespmem:s1+$0xFFFFFFA0];
	_ =	sdelay $0x1  }
0xcb: {  	v6 =	vld [tilespmem:s1+$0xFFFFFF90];
	_ =	sdelay $0x1  }
0xcc: {  	v8 =	vld [tilespmem:s1+$0xFFFFFFF0];
	v1 =	vand.u32 $0x7FFFFFFF, v3  }
0xcd: {  	v2 =	vand.u32 $0x7FFFFFFF, v4;
	v1 =	vmul.f32 v1, v0  }
0xce: {  	v2 =	vmul.f32 v2, v0  }
0xcf: {  	v5 =	vand.u32 $0x7FFFFFFF, v6;
	v1 =	vmin.f32 v1, $1.270000000e+02  }
0xd0: {  	v5 =	vmul.f32 v5, v0;
	v2 =	vmin.f32 v2, $1.270000000e+02;
	v1 =	vtrunc.f32 v1  }
0xd1: {  	v9 =	vld [tilespmem:s1+$0xFFFFFFB0];
	v12 =	vand.u32 $0x7FFFFFFF, v8;
	v2 =	vtrunc.f32 v2;
	v1 =	vcvt.f32.s32 v1  }
0xd2: {  	v7 =	vld [tilespmem:s1+$0xFFFFFFE0];
	v12 =	vmul.f32 v12, v0;
	v5 =	vmin.f32 v5, $1.270000000e+02;
	v2 =	vcvt.f32.s32 v2  }
0xd3: {  	v10 =	vld [tilespmem:s1+$0xFFFFFFD0];
	v5 =	vtrunc.f32 v5  }
0xd4: {  	v11 =	vld [tilespmem:s1+$0xFFFFFFC0];
	v12 =	vmin.f32 v12, $1.270000000e+02;
	v5 =	vcvt.f32.s32 v5  }
0xd5: {  	s31 =	simm.s32 $0x470;
	v12 =	vtrunc.f32 v12  }
0xd6: {  	vm3 =	vlt.f32 v6, $0.0e+00;
	v6 =	vld [tilespmem:s31+$0xFFFFFFD0];
	v12 =	vcvt.f32.s32 v12  }
0xd7: {  	v13 =	vand.u32 $0x7FFFFFFF, v9;
	v17 =	vld.idx.msk [tilespmem:v1+s15+$0x0], $0xffff  }
0xd8: {  	v14 =	vand.u32 $0x7FFFFFFF, v7;
	v15 =	vand.u32 $0x7FFFFFFF, v10;
	v13 =	vmul.f32 v13, v0;
	v18 =	vld.idx.msk [tilespmem:v2+s15+$0x0], $0xffff  }
0xd9: {  	v16 =	vand.u32 $0x7FFFFFFF, v11;
	vm0 =	vlt.f32 v7, $0.0e+00;
	v15 =	vmul.f32 v15, v0;
	v2 =	vld [tilespmem:s31+$0xFFFFFFA0]  }
0xda: {  	v14 =	vmul.f32 v14, v0;
	v13 =	vmin.f32 v13, $1.270000000e+02;
	v1 =	vmul.f32 v16, v0;
	v16 =	vld.idx.msk [tilespmem:v5+s15+$0x0], $0xffff  }
0xdb: {  	vm1 =	vlt.f32 v4, $0.0e+00;
	vm2 =	vlt.f32 v3, $0.0e+00;
	v13 =	vtrunc.f32 v13;
	v5 =	vld [tilespmem:s31+$0x0]  }
0xdc: {  	v15 =	vmin.f32 v15, $1.270000000e+02;
	v14 =	vmin.f32 v14, $1.270000000e+02;
	v13 =	vcvt.f32.s32 v13;
	v12 =	vld.idx.msk [tilespmem:v12+s15+$0x0], $0xffff  }
0xdd: {  	vm4 =	vlt.f32 v8, $0.0e+00;
	v15 =	vtrunc.f32 v15;
	v14 =	vtrunc.f32 v14  }
0xde: {  	v14 =	vcvt.f32.s32 v14;
	v15 =	vcvt.f32.s32 v15;
	v1 =	vmin.f32 v1, $1.270000000e+02  }
0xdf: {  	v23 =	vand.u32 $0x7FFFFFFF, v6;
	v19 =	vtrunc.f32 v1;
	v1 =	vld [tilespmem:s31+$0xFFFFFF90];
	v58 =	vsub.f32 $0.0e+00, v18  }
0xe0: {  	v19 =	vcvt.f32.s32 v19;
	v20 =	vsub.f32 $0.0e+00, v17;
	v7 =	vand.u32 $0x7FFFFFFF, v2  }
0xe1: {  	v4 =	vld [tilespmem:s31+$0xFFFFFFF0];
	v3 =	vand.u32 $0x7FFFFFFF, v5;
	v8 =	vsub.f32 $0.0e+00, v12;
	v18 =	vsel vm1, v58, v18  }
0xe2: {  	v13 =	vld.idx.msk [tilespmem:v13+s15+$0x0], $0xffff;
	vm1 =	vlt.f32 v11, $0.0e+00;
	v11 =	vsel vm2, v20, v17;
	v17 =	vsub.f32 $0.0e+00, v16  }
0xe3: {  	v59 =	vmul.f32 v3, v0;
	vm2 =	vlt.f32 v10, $0.0e+00;
	v20 =	vmul.f32 v7, v0;
	v7 =	vld [tilespmem:s31+$0xFFFFFFB0]  }
0xe4: {  	v15 =	vld.idx.msk [tilespmem:v15+s15+$0x0], $0xffff;
	v10 =	vand.u32 $0x7FFFFFFF, v1;
	v16 =	vsel vm3, v17, v16;
	vm3 =	vlt.f32 v9, $0.0e+00  }
0xe5: {  	v3 =	vld [tilespmem:s31+$0xFFFFFFE0];
	v9 =	vmin.f32 v20, $1.270000000e+02;
	v17 =	vmin.f32 v59, $1.270000000e+02;
	v10 =	vmul.f32 v10, v0  }
0xe6: {  	v12 =	vsel vm4, v8, v12;
	v8 =	vld [tilespmem:s31+$0xFFFFFFC0];
	v9 =	vtrunc.f32 v9;
	v17 =	vtrunc.f32 v17  }
0xe7: {  	v20 =	vld.idx.msk [tilespmem:v19+s15+$0x0], $0xffff;
	v19 =	vsub.f32 $0.0e+00, v13;
	v60 =	vcvt.f32.s32 v9;
	v17 =	vcvt.f32.s32 v17  }
0xe8: {  	s0 =	simm.s32 $0x8270;
	v9 =	vld.idx.msk [tilespmem:v14+s15+$0x0], $0xffff;
	v10 =	vmin.f32 v10, $1.270000000e+02;
	v14 =	vmul.f32 v23, v0;
	v22 =	vand.u32 $0x7FFFFFFF, v7  }
0xe9: {  	[tilespmem:s0+$0xFFFFFFA0] =	vst v18;
	v19 =	vsel vm3, v19, v13;
	v13 =	vand.u32 $0x7FFFFFFF, v4;
	v10 =	vtrunc.f32 v10  }
0xea: {  	[tilespmem:s0+$0x0] =	vst v11;
	v11 =	vsub.f32 $0.0e+00, v15;
	v22 =	vmul.f32 v22, v0;
	v61 =	vmul.f32 v13, v0  }
0xeb: {  	[tilespmem:s0+$0xFFFFFF90] =	vst v16;
	v18 =	vand.u32 $0x7FFFFFFF, v3;
	v62 =	vand.u32 $0x7FFFFFFF, v8;
	v13 =	vcvt.f32.s32 v10  }
0xec: {  	[tilespmem:s0+$0xFFFFFFB0] =	vst v19;
	v19 =	vmul.f32 v62, v0;
	v10 =	vmin.f32 v22, $1.270000000e+02;
	v16 =	vmin.f32 v61, $1.270000000e+02  }
0xed: {  	[tilespmem:s0+$0xFFFFFFF0] =	vst v12;
	v63 =	vsub.f32 $0.0e+00, v20;
	v12 =	vtrunc.f32 v10;
	v16 =	vtrunc.f32 v16  }
0xee: {  	v10 =	vld.idx.msk [tilespmem:v17+s15+$0x0], $0xffff;
	v17 =	vsel vm2, v11, v15;
	v15 =	vcvt.f32.s32 v16;
	v16 =	vsub.f32 $0.0e+00, v9  }
0xef: {  	s3 =	simm.s32 $0x80;
	s5 =	simm.s32 $0x670;
	s1 =	simm.s32 $0x8270;
	v11 =	vld.idx.msk [tilespmem:v60+s15+$0x0], $0xffff;
	v12 =	vcvt.f32.s32 v12;
	[tilespmem:s0+$0xFFFFFFD0] =	vst v17;
	v17 =	vmul.f32 v18, v0;
	v18 =	vsel vm1, v63, v20  }
.LBB2_7:
0xf0: {  	v20 =	vld [tilespmem:s5+$0xFFFFFFA0];
	s3 =	sadd.s32 $0x80, s3;
	v14 =	vmin.f32 v14, $1.270000000e+02;
	[tilespmem:s0+$0xFFFFFFC0] =	vst v18;
	v9 =	vsel vm0, v16, v9;
	s1 =	sadd.s32 $0x200, s1;
	s31 =	simm.s32 $0x82F0  }
0xf1: {  	p1 =	slt.u32 s3, $0xF80;
	v13 =	vld.idx.msk [tilespmem:v13+s15+$0x0], $0xffff;
	v16 =	vmin.f32 v19, $1.270000000e+02;
	v14 =	vtrunc.f32 v14;
	v17 =	vmin.f32 v17, $1.270000000e+02;
	[tilespmem:s0+$0xFFFFFFE0] =	vst v9;
	s0 =	smov.u32 s1  }
0xf2: {  	v9 =	vld [tilespmem:s5+$0x0];
	v16 =	vtrunc.f32 v16;
	v17 =	vtrunc.f32 v17  }
0xf3: {  	v19 =	vsub.f32 $0.0e+00, v10;
	v18 =	vld [tilespmem:s5+$0xFFFFFF90];
	v16 =	vcvt.f32.s32 v16;
	v17 =	vcvt.f32.s32 v17  }
0xf4: {  	vm0 =	vlt.f32 v3, $0.0e+00;
	v14 =	vcvt.f32.s32 v14;
	v21 =	vsub.f32 $0.0e+00, v11;
	v15 =	vld.idx.msk [tilespmem:v15+s15+$0x0], $0xffff  }
0xf5: {  	vm1 =	vlt.f32 v2, $0.0e+00;
	vm2 =	vlt.f32 v5, $0.0e+00;
	v22 =	vand.u32 $0x7FFFFFFF, v20;
	v3 =	vld [tilespmem:s5+$0xFFFFFFE0];
	v2 =	vmovc v20  }
0xf6: {  	v21 =	vsel vm1, v21, v11;
	vm1 =	vlt.f32 v8, $0.0e+00;
	v8 =	vsel vm2, v19, v10;
	v20 =	vld [tilespmem:s5+$0xFFFFFFF0]  }
0xf7: {  	vm2 =	vlt.f32 v6, $0.0e+00;
	v11 =	vsub.f32 $0.0e+00, v13;
	v10 =	vand.u32 $0x7FFFFFFF, v9;
	[tilespmem:s1+$0xFFFFFFA0] =	vst v21;
	v12 =	vld.idx.msk [tilespmem:v12+s15+$0x0], $0xffff;
	v5 =	vmovc v9  }
0xf8: {  	vm3 =	vlt.f32 v1, $0.0e+00;
	v19 =	vmul.f32 v22, v0;
	v9 =	vand.u32 $0x7FFFFFFF, v18;
	v21 =	vld [tilespmem:s5+$0xFFFFFFB0];
	[tilespmem:s1+$0x0] =	vst v8;
	v1 =	vmovc v18  }
0xf9: {  	v8 =	vmul.f32 v10, v0;
	v10 =	vsel vm3, v11, v13;
	vm3 =	vlt.f32 v7, $0.0e+00;
	v6 =	vld [tilespmem:s5+$0xFFFFFFD0]  }
0xfa: {  	vm4 =	vlt.f32 v4, $0.0e+00;
	v7 =	vmin.f32 v19, $1.270000000e+02;
	[tilespmem:s1+$0xFFFFFF90] =	vst v10;
	v11 =	vld.idx.msk [tilespmem:v14+s15+$0x0], $0xffff;
	v10 =	vsub.f32 $0.0e+00, v15  }
0xfb: {  	v23 =	vtrunc.f32 v7;
	v18 =	vand.u32 $0x7FFFFFFF, v3;
	v13 =	vmin.f32 v8, $1.270000000e+02;
	v22 =	vld.idx.msk [tilespmem:v16+s15+$0x0], $0xffff;
	v4 =	vmovc v20  }
0xfc: {  	v14 =	vmul.f32 v9, v0;
	v9 =	vtrunc.f32 v13;
	v8 =	vld [tilespmem:s5+$0xFFFFFFC0];
	v10 =	vsel vm4, v10, v15  }
0xfd: {  	v15 =	vcvt.f32.s32 v23;
	v16 =	vcvt.f32.s32 v9;
	v19 =	vsub.f32 $0.0e+00, v12;
	v9 =	vld.idx.msk [tilespmem:v17+s15+$0x0], $0xffff;
	v7 =	vmovc v21  }
0xfe: {  	v20 =	vand.u32 $0x7FFFFFFF, v4;
	v13 =	vand.u32 $0x7FFFFFFF, v7;
	v17 =	vand.u32 $0x7FFFFFFF, v6;
	[tilespmem:s1+$0xFFFFFFF0] =	vst v10  }
0xff: {  	v10 =	vmin.f32 v14, $1.270000000e+02;
	v21 =	vmul.f32 v13, v0;
	v14 =	vmul.f32 v17, v0  }
0x100: {  	v10 =	vtrunc.f32 v10;
	v17 =	vmul.f32 v20, v0;
	v20 =	vsub.f32 $0.0e+00, v11  }
.Ltmp4:
0x101: {  	v12 =	vsel vm3, v19, v12;
	v13 =	vcvt.f32.s32 v10;
	v10 =	vmin.f32 v21, $1.270000000e+02;
	(pc) =	sbr.rel @p1 .LBB2_7-.Ltmp4, $4  }
0x102: {  	v19 =	vand.u32 $0x7FFFFFFF, v8;
	v17 =	vmin.f32 v17, $1.270000000e+02;
	v21 =	vsub.f32 $0.0e+00, v22  }
0x103: {  	v23 =	vtrunc.f32 v10;
	v17 =	vtrunc.f32 v17;
	v10 =	vld.idx.msk [tilespmem:v16+s15+$0x0], $0xffff;
	[tilespmem:s1+$0xFFFFFFB0] =	vst v12;
	v16 =	vsel vm2, v20, v11  }
0x104: {  	v12 =	vcvt.f32.s32 v23;
	v11 =	vld.idx.msk [tilespmem:v15+s15+$0x0], $0xffff;
	v15 =	vcvt.f32.s32 v17;
	[tilespmem:s1+$0xFFFFFFD0] =	vst v16;
	v16 =	vsub.f32 $0.0e+00, v9  }
0x105: {  	s5 =	sadd.s32 $0x200, s5;
	v19 =	vmul.f32 v19, v0;
	v17 =	vmul.f32 v18, v0;
	v18 =	vsel vm1, v21, v22  }
0x106: {  	v14 =	vmin.f32 v14, $1.270000000e+02  }
0x107: {  	v19 =	vmin.f32 v19, $1.270000000e+02;
	v14 =	vtrunc.f32 v14  }
0x108: {  	v17 =	vmin.f32 v17, $1.270000000e+02;
	v19 =	vtrunc.f32 v19;
	v14 =	vcvt.f32.s32 v14  }
0x109: {  	v17 =	vtrunc.f32 v17;
	v19 =	vcvt.f32.s32 v19  }
0x10a: {  	v17 =	vcvt.f32.s32 v17  }
0x10b: {  	v13 =	vld.idx.msk [tilespmem:v13+s15+$0x0], $0xffff  }
0x10c: {  	v15 =	vld.idx.msk [tilespmem:v15+s15+$0x0], $0xffff  }
0x10d: {  	v12 =	vld.idx.msk [tilespmem:v12+s15+$0x0], $0xffff  }
0x10e: {  	v9 =	vsel vm0, v16, v9;
	v16 =	vsub.f32 $0.0e+00, v10;
	v20 =	vsub.f32 $0.0e+00, v11;
	v14 =	vld.idx.msk [tilespmem:v14+s15+$0x0], $0xffff  }
0x10f: {  	[tilespmem:s0+$0xFFFFFFC0] =	vst v18;
	vm0 =	vlt.f32 v2, $0.0e+00;
	vm1 =	vlt.f32 v5, $0.0e+00;
	v2 =	vld.idx.msk [tilespmem:v19+s15+$0x0], $0xffff  }
0x110: {  	s1 =	sadd.s32 $0x200, s1;
	[tilespmem:s0+$0xFFFFFFE0] =	vst v9;
	v10 =	vsel vm1, v16, v10;
	v5 =	vsel vm0, v20, v11;
	v9 =	vsub.f32 $0.0e+00, v13;
	v11 =	vld.idx.msk [tilespmem:v17+s15+$0x0], $0xffff  }
0x111: {  	vm0 =	vlt.f32 v1, $0.0e+00;
	v1 =	vsub.f32 $0.0e+00, v15;
	[tilespmem:s1+$0x0] =	vst v10  }
0x112: {  	[tilespmem:s1+$0xFFFFFFA0] =	vst v5;
	v5 =	vsel vm0, v9, v13;
	vm0 =	vlt.f32 v4, $0.0e+00;
	v4 =	vsub.f32 $0.0e+00, v12  }
0x113: {  	vm1 =	vlt.f32 v7, $0.0e+00;
	[tilespmem:s1+$0xFFFFFF90] =	vst v5;
	v1 =	vsel vm0, v1, v15;
	v5 =	vsub.f32 $0.0e+00, v14  }
0x114: {  	vm0 =	vlt.f32 v6, $0.0e+00;
	[tilespmem:s1+$0xFFFFFFF0] =	vst v1;
	v1 =	vsel vm1, v4, v12;
	v4 =	vsub.f32 $0.0e+00, v2  }
0x115: {  	vm1 =	vlt.f32 v8, $0.0e+00;
	[tilespmem:s1+$0xFFFFFFB0] =	vst v1;
	v1 =	vsel vm0, v5, v14;
	v5 =	vsub.f32 $0.0e+00, v11  }
0x116: {  	vm0 =	vlt.f32 v3, $0.0e+00;
	[tilespmem:s1+$0xFFFFFFD0] =	vst v1;
	v1 =	vsel vm1, v4, v2  }
0x117: {  	[tilespmem:s1+$0xFFFFFFC0] =	vst v1;
	v1 =	vsel vm0, v5, v11  }
0x118: {  	s3 =	simm.s32 $0x2F0;
	[tilespmem:s1+$0xFFFFFFE0] =	vst v1  }
0x119: {  	v3 =	vld [tilespmem:s3+$0xFFFFFF90]  }
0x11a: {  	v4 =	vld [tilespmem:s3+$0xFFFFFFB0]  }
0x11b: {  	v5 =	vld [tilespmem:s3+$0x0]  }
0x11c: {  	v6 =	vld [tilespmem:s3+$0xFFFFFFA0]  }
0x11d: {  	v8 =	vld [tilespmem:s3+$0xFFFFFFE0]  }
0x11e: {  	v9 =	vld [tilespmem:s3+$0xFFFFFFC0]  }
0x11f: {  	v13 =	vld [tilespmem:s3+$0xFFFFFFD0];
	_ =	sdelay $0x1  }
0x120: {  	v7 =	vld [tilespmem:s3+$0xFFFFFFF0]  }
0x121: {  	v1 =	vand.u32 $0x7FFFFFFF, v3;
	v2 =	vand.u32 $0x7FFFFFFF, v4  }
0x122: {  	v10 =	vand.u32 $0x7FFFFFFF, v5;
	v11 =	vand.u32 $0x7FFFFFFF, v6;
	v14 =	vand.u32 $0x7FFFFFFF, v9  }
0x123: {  	v15 =	vand.u32 $0x7FFFFFFF, v8;
	v17 =	vand.u32 $0x7FFFFFFF, v13;
	vm0 =	vlt.f32 v5, $0.0e+00  }
0x124: {  	vm3 =	vlt.f32 v3, $0.0e+00;
	vm5 =	vlt.f32 v13, $0.0e+00;
	v1 =	vmul.f32 v1, v0  }
0x125: {  	vm1 =	vlt.f32 v7, $0.0e+00;
	v2 =	vmul.f32 v2, v0;
	v10 =	vmul.f32 v10, v0  }
0x126: {  	vm4 =	vlt.f32 v8, $0.0e+00;
	v11 =	vmul.f32 v11, v0;
	v14 =	vmul.f32 v14, v0  }
0x127: {  	v15 =	vmul.f32 v15, v0;
	v17 =	vmul.f32 v17, v0;
	v1 =	vmin.f32 v1, $1.270000000e+02  }
0x128: {  	v11 =	vmin.f32 v11, $1.270000000e+02;
	v10 =	vmin.f32 v10, $1.270000000e+02;
	v14 =	vmin.f32 v14, $1.270000000e+02  }
0x129: {  	v12 =	vtrunc.f32 v1;
	v1 =	vmin.f32 v2, $1.270000000e+02;
	v11 =	vtrunc.f32 v11  }
0x12a: {  	s5 =	simm.s32 $0x4F0;
	v2 =	vand.u32 $0x7FFFFFFF, v7;
	v14 =	vtrunc.f32 v14;
	v11 =	vcvt.f32.s32 v11  }
0x12b: {  	v3 =	vld [tilespmem:s5+$0xFFFFFFF0];
	v17 =	vmin.f32 v17, $1.270000000e+02;
	v1 =	vtrunc.f32 v1;
	v2 =	vmul.f32 v2, v0  }
0x12c: {  	v16 =	vcvt.f32.s32 v1;
	v1 =	vtrunc.f32 v10;
	v10 =	vmin.f32 v15, $1.270000000e+02;
	v15 =	vld [tilespmem:s5+$0x0]  }
0x12d: {  	v17 =	vtrunc.f32 v17;
	v2 =	vmin.f32 v2, $1.270000000e+02;
	v18 =	vcvt.f32.s32 v1;
	v1 =	vld [tilespmem:s5+$0xFFFFFF90]  }
0x12e: {  	vm7 =	vlt.f32 v6, $0.0e+00;
	v14 =	vcvt.f32.s32 v14;
	v19 =	vtrunc.f32 v2;
	v2 =	vld [tilespmem:s5+$0xFFFFFFB0]  }
0x12f: {  	v5 =	vld [tilespmem:s5+$0xFFFFFFA0];
	vm8 =	vlt.f32 v4, $0.0e+00;
	vm6 =	vlt.f32 v9, $0.0e+00;
	v17 =	vcvt.f32.s32 v17  }
0x130: {  	v12 =	vcvt.f32.s32 v12;
	v20 =	vand.u32 $0x7FFFFFFF, v3;
	v10 =	vtrunc.f32 v10;
	v11 =	vld.idx.msk [tilespmem:v11+s15+$0x0], $0xffff  }
0x131: {  	v6 =	vld [tilespmem:s5+$0xFFFFFFC0];
	vm2 =	vmmov vm0;
	v24 =	vmul.f32 v20, v0;
	v21 =	vcvt.f32.s32 v10  }
0x132: {  	v19 =	vcvt.f32.s32 v19;
	vm0 =	vlt.f32 v15, $0.0e+00;
	v16 =	vld.idx.msk [tilespmem:v16+s15+$0x0], $0xffff;
	v13 =	vand.u32 $0x7FFFFFFF, v1  }
0x133: {  	v4 =	vld [tilespmem:s5+$0xFFFFFFE0];
	v8 =	vmul.f32 v13, v0;
	v13 =	vand.u32 $0x7FFFFFFF, v15;
	v9 =	vand.u32 $0x7FFFFFFF, v2  }
0x134: {  	v14 =	vld.idx.msk [tilespmem:v14+s15+$0x0], $0xffff;
	v15 =	vand.u32 $0x7FFFFFFF, v5;
	v9 =	vmul.f32 v9, v0;
	v13 =	vmul.f32 v13, v0  }
0x135: {  	v22 =	vld.idx.msk [tilespmem:v17+s15+$0x0], $0xffff;
	v15 =	vmul.f32 v15, v0;
	v8 =	vmin.f32 v8, $1.270000000e+02;
	v10 =	vsub.f32 $0.0e+00, v11  }
0x136: {  	v7 =	vld.idx.msk [tilespmem:v18+s15+$0x0], $0xffff;
	v8 =	vtrunc.f32 v8;
	v17 =	vmin.f32 v9, $1.270000000e+02;
	v13 =	vmin.f32 v13, $1.270000000e+02  }
0x137: {  	v9 =	vld.idx.msk [tilespmem:v12+s15+$0x0], $0xffff;
	v15 =	vmin.f32 v15, $1.270000000e+02;
	v18 =	vsub.f32 $0.0e+00, v16;
	v12 =	vtrunc.f32 v17  }
0x138: {  	v17 =	vand.u32 $0x7FFFFFFF, v6;
	v20 =	vtrunc.f32 v13;
	v11 =	vsel vm7, v10, v11  }
0x139: {  	v13 =	vld.idx.msk [tilespmem:v21+s15+$0x0], $0xffff;
	v17 =	vmul.f32 v17, v0;
	v16 =	vsel vm8, v18, v16;
	v18 =	vand.u32 $0x7FFFFFFF, v4  }
0x13a: {  	v25 =	vsub.f32 $0.0e+00, v14;
	v26 =	vsub.f32 $0.0e+00, v22;
	[tilespmem:s31+$0xFFFFFFA0] =	vst v11;
	v11 =	vld [tilespmem:s5+$0xFFFFFFD0];
	v23 =	vmul.f32 v18, v0  }
0x13b: {  	v18 =	vmin.f32 v17, $1.270000000e+02;
	v17 =	vtrunc.f32 v15;
	v15 =	vcvt.f32.s32 v12;
	v12 =	vld.idx.msk [tilespmem:v19+s15+$0x0], $0xffff  }
0x13c: {  	v21 =	vmin.f32 v24, $1.270000000e+02;
	v10 =	vsub.f32 $0.0e+00, v7;
	v17 =	vcvt.f32.s32 v17  }
0x13d: {  	[tilespmem:s31+$0xFFFFFFB0] =	vst v16;
	v19 =	vsub.f32 $0.0e+00, v9;
	v16 =	vmin.f32 v23, $1.270000000e+02;
	v23 =	vsel vm6, v25, v14  }
0x13e: {  	s0 =	simm.s32 $0x82F0;
	s1 =	simm.s32 $0x80;
	s3 =	simm.s32 $0x6F0;
	v14 =	vtrunc.f32 v16;
	v16 =	vtrunc.f32 v21;
	[tilespmem:s31+$0xFFFFFFC0] =	vst v23;
	v21 =	vsel vm5, v26, v22  }
.LBB2_9:
0x13f: {  	v22 =	vld [tilespmem:s3+$0x0];
	s1 =	sadd.s32 $0x80, s1;
	v23 =	vand.u32 $0x7FFFFFFF, v11;
	v20 =	vcvt.f32.s32 v20;
	v24 =	vsub.f32 $0.0e+00, v13;
	s31 =	sadd.s32 $0x200, s31  }
0x140: {  	v7 =	vsel vm2, v10, v7;
	v25 =	vld [tilespmem:s3+$0xFFFFFFB0];
	p1 =	slt.u32 s1, $0xF80;
	v23 =	vmul.f32 v23, v0;
	[tilespmem:s0+$0xFFFFFFD0] =	vst v21;
	v21 =	vsub.f32 $0.0e+00, v12  }
0x141: {  	v18 =	vtrunc.f32 v18;
	v9 =	vsel vm3, v19, v9;
	v10 =	vld [tilespmem:s3+$0xFFFFFF90];
	v13 =	vsel vm4, v24, v13;
	[tilespmem:s0+$0x0] =	vst v7  }
0x142: {  	v24 =	vcvt.f32.s32 v8;
	v19 =	vld [tilespmem:s3+$0xFFFFFFA0];
	v7 =	vmin.f32 v23, $1.270000000e+02;
	[tilespmem:s0+$0xFFFFFF90] =	vst v9;
	v8 =	vsel vm1, v21, v12  }
0x143: {  	vm2 =	vmmov vm0;
	v9 =	vcvt.f32.s32 v18;
	v12 =	vld.idx.msk [tilespmem:v17+s15+$0x0], $0xffff;
	v7 =	vtrunc.f32 v7;
	[tilespmem:s0+$0xFFFFFFF0] =	vst v8  }
0x144: {  	vm0 =	vlt.f32 v22, $0.0e+00;
	v15 =	vld.idx.msk [tilespmem:v15+s15+$0x0], $0xffff;
	v8 =	vcvt.f32.s32 v7;
	[tilespmem:s0+$0xFFFFFFE0] =	vst v13;
	s0 =	smov.u32 s31  }
0x145: {  	vm3 =	vlt.f32 v1, $0.0e+00;
	vm5 =	vlt.f32 v11, $0.0e+00;
	vm1 =	vlt.f32 v3, $0.0e+00;
	v7 =	vld.idx.msk [tilespmem:v20+s15+$0x0], $0xffff  }
0x146: {  	vm4 =	vlt.f32 v4, $0.0e+00;
	v13 =	vcvt.f32.s32 v16;
	v11 =	vand.u32 $0x7FFFFFFF, v10;
	v3 =	vld [tilespmem:s3+$0xFFFFFFF0];
	v1 =	vmovc v10  }
0x147: {  	vm7 =	vlt.f32 v5, $0.0e+00;
	vm8 =	vlt.f32 v2, $0.0e+00;
	v2 =	vmovc v25;
	v10 =	vmul.f32 v11, v0;
	v4 =	vld [tilespmem:s3+$0xFFFFFFE0];
	v5 =	vmovc v19  }
0x148: {  	vm6 =	vlt.f32 v6, $0.0e+00;
	v14 =	vcvt.f32.s32 v14;
	v11 =	vand.u32 $0x7FFFFFFF, v22;
	v6 =	vld [tilespmem:s3+$0xFFFFFFC0]  }
0x149: {  	v16 =	vand.u32 $0x7FFFFFFF, v2;
	v17 =	vsub.f32 $0.0e+00, v12;
	v10 =	vmin.f32 v10, $1.270000000e+02;
	v21 =	vld.idx.msk [tilespmem:v9+s15+$0x0], $0xffff  }
0x14a: {  	v16 =	vmul.f32 v16, v0;
	v18 =	vand.u32 $0x7FFFFFFF, v5;
	v19 =	vsub.f32 $0.0e+00, v15;
	v22 =	vld.idx.msk [tilespmem:v8+s15+$0x0], $0xffff  }
0x14b: {  	v8 =	vtrunc.f32 v10;
	v12 =	vsel vm7, v17, v12;
	v10 =	vsub.f32 $0.0e+00, v7;
	v9 =	vld.idx.msk [tilespmem:v24+s15+$0x0], $0xffff  }
0x14c: {  	v11 =	vmul.f32 v11, v0;
	v16 =	vmin.f32 v16, $1.270000000e+02;
	v17 =	vand.u32 $0x7FFFFFFF, v3;
	[tilespmem:s31+$0xFFFFFFA0] =	vst v12;
	v12 =	vld.idx.msk [tilespmem:v13+s15+$0x0], $0xffff  }
0x14d: {  	v16 =	vtrunc.f32 v16;
	v15 =	vsel vm8, v19, v15;
	v13 =	vand.u32 $0x7FFFFFFF, v6  }
0x14e: {  	v18 =	vmul.f32 v18, v0;
	v20 =	vand.u32 $0x7FFFFFFF, v4;
	v19 =	vmul.f32 v13, v0;
	[tilespmem:s31+$0xFFFFFFB0] =	vst v15;
	v13 =	vld.idx.msk [tilespmem:v14+s15+$0x0], $0xffff  }
0x14f: {  	v23 =	vmul.f32 v17, v0;
	v14 =	vmul.f32 v20, v0;
	v20 =	vmin.f32 v11, $1.270000000e+02  }
.Ltmp5:
0x150: {  	v15 =	vmin.f32 v18, $1.270000000e+02;
	v24 =	vsub.f32 $0.0e+00, v21;
	v18 =	vmin.f32 v19, $1.270000000e+02;
	v11 =	vld [tilespmem:s3+$0xFFFFFFD0];
	(pc) =	sbr.rel @p1 .LBB2_9-.Ltmp5, $4  }
0x151: {  	v17 =	vtrunc.f32 v15;
	v15 =	vcvt.f32.s32 v16;
	v25 =	vsub.f32 $0.0e+00, v22  }
0x152: {  	v20 =	vtrunc.f32 v20;
	v17 =	vcvt.f32.s32 v17;
	v19 =	vsub.f32 $0.0e+00, v9  }
0x153: {  	v16 =	vmin.f32 v23, $1.270000000e+02;
	v14 =	vmin.f32 v14, $1.270000000e+02;
	v21 =	vsel vm6, v24, v21  }
0x154: {  	v16 =	vtrunc.f32 v16;
	s3 =	sadd.s32 $0x200, s3;
	v14 =	vtrunc.f32 v14;
	[tilespmem:s31+$0xFFFFFFC0] =	vst v21;
	v21 =	vsel vm5, v25, v22  }
0x155: {  	v22 =	vand.u32 $0x7FFFFFFF, v11  }
0x156: {  	v22 =	vmul.f32 v22, v0  }
0x157: {  	v8 =	vcvt.f32.s32 v8  }
0x158: {  	v18 =	vtrunc.f32 v18;
	v16 =	vcvt.f32.s32 v16;
	v22 =	vmin.f32 v22, $1.270000000e+02  }
0x159: {  	v18 =	vcvt.f32.s32 v18;
	v22 =	vtrunc.f32 v22  }
0x15a: {  	v22 =	vcvt.f32.s32 v22  }
0x15b: {  	v20 =	vcvt.f32.s32 v20;
	v17 =	vld.idx.msk [tilespmem:v17+s15+$0x0], $0xffff  }
0x15c: {  	v15 =	vld.idx.msk [tilespmem:v15+s15+$0x0], $0xffff;
	v14 =	vcvt.f32.s32 v14  }
0x15d: {  	v8 =	vld.idx.msk [tilespmem:v8+s15+$0x0], $0xffff  }
0x15e: {  	[tilespmem:s0+$0xFFFFFFD0] =	vst v21;
	v50 =	vsub.f32 $0.0e+00, v12;
	v7 =	vsel vm2, v10, v7;
	v57 =	vld.idx.msk [tilespmem:v16+s15+$0x0], $0xffff  }
0x15f: {  	v52 =	vsub.f32 $0.0e+00, v13;
	v9 =	vsel vm3, v19, v9;
	[tilespmem:s0+$0x0] =	vst v7;
	v18 =	vld.idx.msk [tilespmem:v18+s15+$0x0], $0xffff  }
0x160: {  	[tilespmem:s0+$0xFFFFFF90] =	vst v9;
	v54 =	vsel vm1, v50, v12;
	v55 =	vsub.f32 $0.0e+00, v17;
	v51 =	vld.idx.msk [tilespmem:v22+s15+$0x0], $0xffff  }
0x161: {  	vm9 =	vlt.f32 v5, $0.0e+00;
	v13 =	vsel vm4, v52, v13;
	[tilespmem:s0+$0xFFFFFFF0] =	vst v54;
	v56 =	vsub.f32 $0.0e+00, v15;
	v53 =	vld.idx.msk [tilespmem:v20+s15+$0x0], $0xffff  }
0x162: {  	s1 =	sadd.s32 $0x200, s31;
	vm10 =	vlt.f32 v2, $0.0e+00;
	[tilespmem:s0+$0xFFFFFFE0] =	vst v13;
	v58 =	vld.idx.msk [tilespmem:v14+s15+$0x0], $0xffff;
	v2 =	vsel vm9, v55, v17;
	v62 =	vsub.f32 $0.0e+00, v8  }
0x163: {  	vm13 =	vlt.f32 v1, $0.0e+00;
	[tilespmem:s1+$0xFFFFFFA0] =	vst v2;
	v2 =	vsel vm10, v56, v15;
	v1 =	vsub.f32 $0.0e+00, v57  }
0x164: {  	vm14 =	vlt.f32 v3, $0.0e+00;
	[tilespmem:s1+$0xFFFFFFB0] =	vst v2;
	v59 =	vsub.f32 $0.0e+00, v18;
	v63 =	vsel vm13, v62, v8  }
0x165: {  	vm11 =	vlt.f32 v6, $0.0e+00;
	v1 =	vsel vm14, v1, v57;
	[tilespmem:s1+$0xFFFFFF90] =	vst v63;
	v60 =	vsub.f32 $0.0e+00, v51  }
0x166: {  	vm12 =	vlt.f32 v11, $0.0e+00;
	p1 =	sne.s32 s28, $0x1F;
	v61 =	vsub.f32 $0.0e+00, v53;
	v2 =	vsel vm11, v59, v18;
	[tilespmem:s1+$0xFFFFFFF0] =	vst v1  }
.Ltmp6:
0x167: {  	vm0 =	vmmov vm0;
	v3 =	vsub.f32 $0.0e+00, v58;
	[tilespmem:s1+$0xFFFFFFC0] =	vst v2;
	v2 =	vsel vm12, v60, v51;
	(pc) =	sbr.rel @p1 .LBB2_12-.Ltmp6, $4  }
0x168: {  	vm15 =	vlt.f32 v4, $0.0e+00;
	[tilespmem:s1+$0xFFFFFFD0] =	vst v2;
	v2 =	vsel vm0, v61, v53  }
0x169: {  	s31 =	sshll.u32 s30, $0xC;
	[tilespmem:s1+$0x0] =	vst v2;
	v2 =	vsel vm15, v3, v58  }
0x16a: {  	s0 =	sadd.s32 s2, s31;
	[tilespmem:s1+$0xFFFFFFE0] =	vst v2  }
0x16b: {  	[hbm4b:s0+s16] =	stream.strided.scatter [tilespmem:s21], [sflag:$0x3], $0x4000, s17, s16, $0x38;
	[tilespmem:$0x10100] =	vst v63  }
.Ltmp7:
0x16c: {  	(pc) =	sbr.rel .LBB2_13-.Ltmp7, $4  }
0x16d: {  	_ = 	snop  }
0x16e: {  	_ =	swait.ge [sflag:s22], $0x4000  }
0x16f: {  	[sflag:s22] =	ssyncset.done $0x0  }
0x170: {  	[sflag:s22] =	ssyncadd.s32 $0xFFFFC000  }
.LBB2_12:
.Ltmp8:
0x171: {  	s0 =	sadd.s32 s29, s10;
	(pc) =	sbr.rel @p0 .LBB2_14-.Ltmp8, $4  }
0x172: {  	[tilespmem:s18], [sflag:$0x1] =	stream.strided.gather [hbm4b:s0+s16], $0x4000, s17, s16, $0x38;
	[tilespmem:$0x10100] =	vst v63  }
0x173: {  	_ =	swait.ge [sflag:s22], $0x4000  }
0x174: {  	[sflag:s22] =	ssyncset.done $0x0  }
0x175: {  	[sflag:s22] =	ssyncadd.s32 $0xFFFFC000  }
.LBB2_13:
0x176: {  	_ =	swait.ge [sflag:s23], $0x4000  }
0x177: {  	[sflag:s23] =	ssyncset.done $0x0  }
0x178: {  	[sflag:s23] =	ssyncadd.s32 $0xFFFFC000  }
.LBB2_14:
0x179: {  	s0 =	simm.s32 $0x4140  }
0x17a: {  	v3 =	vld [tilespmem:s0+$0x30]  }
0x17b: {  	v4 =	vld [tilespmem:s0+$0xFFFFFFD0];
	_ =	sdelay $0x1  }
0x17c: {  	v6 =	vld [tilespmem:s0+$0xFFFFFFC0];
	_ =	sdelay $0x1  }
0x17d: {  	v8 =	vld [tilespmem:s0+$0x20];
	v1 =	vand.u32 $0x7FFFFFFF, v3  }
0x17e: {  	v2 =	vand.u32 $0x7FFFFFFF, v4;
	v1 =	vmul.f32 v1, v0  }
0x17f: {  	v2 =	vmul.f32 v2, v0  }
0x180: {  	v5 =	vand.u32 $0x7FFFFFFF, v6;
	v1 =	vmin.f32 v1, $1.270000000e+02  }
0x181: {  	v5 =	vmul.f32 v5, v0;
	v2 =	vmin.f32 v2, $1.270000000e+02;
	v1 =	vtrunc.f32 v1  }
0x182: {  	v9 =	vld [tilespmem:s0+$0xFFFFFFE0];
	v12 =	vand.u32 $0x7FFFFFFF, v8;
	v2 =	vtrunc.f32 v2;
	v1 =	vcvt.f32.s32 v1  }
0x183: {  	v7 =	vld [tilespmem:s0+$0x10];
	v12 =	vmul.f32 v12, v0;
	v5 =	vmin.f32 v5, $1.270000000e+02;
	v2 =	vcvt.f32.s32 v2  }
0x184: {  	v10 =	vld [tilespmem:s0+$0x0];
	v5 =	vtrunc.f32 v5  }
0x185: {  	v11 =	vld [tilespmem:s0+$0xFFFFFFF0];
	v12 =	vmin.f32 v12, $1.270000000e+02;
	v5 =	vcvt.f32.s32 v5  }
0x186: {  	s31 =	simm.s32 $0x4340;
	v12 =	vtrunc.f32 v12  }
0x187: {  	vm3 =	vlt.f32 v6, $0.0e+00;
	v6 =	vld [tilespmem:s31+$0x0];
	v12 =	vcvt.f32.s32 v12  }
0x188: {  	v13 =	vand.u32 $0x7FFFFFFF, v9;
	v17 =	vld.idx.msk [tilespmem:v1+s15+$0x0], $0xffff  }
0x189: {  	v14 =	vand.u32 $0x7FFFFFFF, v7;
	v15 =	vand.u32 $0x7FFFFFFF, v10;
	v13 =	vmul.f32 v13, v0;
	v18 =	vld.idx.msk [tilespmem:v2+s15+$0x0], $0xffff  }
0x18a: {  	v16 =	vand.u32 $0x7FFFFFFF, v11;
	vm0 =	vlt.f32 v7, $0.0e+00;
	v15 =	vmul.f32 v15, v0;
	v2 =	vld [tilespmem:s31+$0xFFFFFFD0]  }
0x18b: {  	v14 =	vmul.f32 v14, v0;
	v13 =	vmin.f32 v13, $1.270000000e+02;
	v1 =	vmul.f32 v16, v0;
	v16 =	vld.idx.msk [tilespmem:v5+s15+$0x0], $0xffff  }
0x18c: {  	vm1 =	vlt.f32 v4, $0.0e+00;
	vm2 =	vlt.f32 v3, $0.0e+00;
	v13 =	vtrunc.f32 v13;
	v5 =	vld [tilespmem:s31+$0x30]  }
0x18d: {  	v15 =	vmin.f32 v15, $1.270000000e+02;
	v14 =	vmin.f32 v14, $1.270000000e+02;
	v13 =	vcvt.f32.s32 v13;
	v12 =	vld.idx.msk [tilespmem:v12+s15+$0x0], $0xffff  }
0x18e: {  	vm4 =	vlt.f32 v8, $0.0e+00;
	v15 =	vtrunc.f32 v15;
	v14 =	vtrunc.f32 v14  }
0x18f: {  	v14 =	vcvt.f32.s32 v14;
	v15 =	vcvt.f32.s32 v15;
	v1 =	vmin.f32 v1, $1.270000000e+02  }
0x190: {  	v23 =	vand.u32 $0x7FFFFFFF, v6;
	v19 =	vtrunc.f32 v1;
	v1 =	vld [tilespmem:s31+$0xFFFFFFC0];
	v21 =	vsub.f32 $0.0e+00, v18  }
0x191: {  	v19 =	vcvt.f32.s32 v19;
	v20 =	vsub.f32 $0.0e+00, v17;
	v7 =	vand.u32 $0x7FFFFFFF, v2  }
0x192: {  	v4 =	vld [tilespmem:s31+$0x20];
	v3 =	vand.u32 $0x7FFFFFFF, v5;
	v8 =	vsub.f32 $0.0e+00, v12;
	v18 =	vsel vm1, v21, v18  }
0x193: {  	v13 =	vld.idx.msk [tilespmem:v13+s15+$0x0], $0xffff;
	vm1 =	vlt.f32 v11, $0.0e+00;
	v11 =	vsel vm2, v20, v17;
	v17 =	vsub.f32 $0.0e+00, v16  }
0x194: {  	v59 =	vmul.f32 v3, v0;
	vm2 =	vlt.f32 v10, $0.0e+00;
	v20 =	vmul.f32 v7, v0;
	v7 =	vld [tilespmem:s31+$0xFFFFFFE0]  }
0x195: {  	v15 =	vld.idx.msk [tilespmem:v15+s15+$0x0], $0xffff;
	v10 =	vand.u32 $0x7FFFFFFF, v1;
	v16 =	vsel vm3, v17, v16;
	vm3 =	vlt.f32 v9, $0.0e+00  }
0x196: {  	v3 =	vld [tilespmem:s31+$0x10];
	v9 =	vmin.f32 v20, $1.270000000e+02;
	v17 =	vmin.f32 v59, $1.270000000e+02;
	v10 =	vmul.f32 v10, v0  }
0x197: {  	v12 =	vsel vm4, v8, v12;
	v8 =	vld [tilespmem:s31+$0xFFFFFFF0];
	v9 =	vtrunc.f32 v9;
	v17 =	vtrunc.f32 v17  }
0x198: {  	v20 =	vld.idx.msk [tilespmem:v19+s15+$0x0], $0xffff;
	v19 =	vsub.f32 $0.0e+00, v13;
	v60 =	vcvt.f32.s32 v9;
	v17 =	vcvt.f32.s32 v17  }
0x199: {  	s0 =	simm.s32 $0xC140;
	v9 =	vld.idx.msk [tilespmem:v14+s15+$0x0], $0xffff;
	v10 =	vmin.f32 v10, $1.270000000e+02;
	v14 =	vmul.f32 v23, v0;
	v22 =	vand.u32 $0x7FFFFFFF, v7  }
0x19a: {  	[tilespmem:s0+$0xFFFFFFD0] =	vst v18;
	v19 =	vsel vm3, v19, v13;
	v13 =	vand.u32 $0x7FFFFFFF, v4;
	v10 =	vtrunc.f32 v10  }
0x19b: {  	[tilespmem:s0+$0x30] =	vst v11;
	v11 =	vsub.f32 $0.0e+00, v15;
	v22 =	vmul.f32 v22, v0;
	v61 =	vmul.f32 v13, v0  }
0x19c: {  	[tilespmem:s0+$0xFFFFFFC0] =	vst v16;
	v18 =	vand.u32 $0x7FFFFFFF, v3;
	v62 =	vand.u32 $0x7FFFFFFF, v8;
	v13 =	vcvt.f32.s32 v10  }
0x19d: {  	[tilespmem:s0+$0xFFFFFFE0] =	vst v19;
	v19 =	vmul.f32 v62, v0;
	v10 =	vmin.f32 v22, $1.270000000e+02;
	v16 =	vmin.f32 v61, $1.270000000e+02  }
0x19e: {  	[tilespmem:s0+$0x20] =	vst v12;
	v63 =	vsub.f32 $0.0e+00, v20;
	v12 =	vtrunc.f32 v10;
	v16 =	vtrunc.f32 v16  }
0x19f: {  	v10 =	vld.idx.msk [tilespmem:v17+s15+$0x0], $0xffff;
	v17 =	vsel vm2, v11, v15;
	v15 =	vcvt.f32.s32 v16;
	v16 =	vsub.f32 $0.0e+00, v9  }
0x1a0: {  	s3 =	simm.s32 $0x80;
	s5 =	simm.s32 $0x4540;
	s1 =	simm.s32 $0xC140;
	v11 =	vld.idx.msk [tilespmem:v60+s15+$0x0], $0xffff;
	v12 =	vcvt.f32.s32 v12;
	[tilespmem:s0+$0x0] =	vst v17;
	v17 =	vmul.f32 v18, v0;
	v18 =	vsel vm1, v63, v20  }
.LBB2_15:
0x1a1: {  	v20 =	vld [tilespmem:s5+$0xFFFFFFD0];
	s3 =	sadd.s32 $0x80, s3;
	v14 =	vmin.f32 v14, $1.270000000e+02;
	[tilespmem:s0+$0xFFFFFFF0] =	vst v18;
	v9 =	vsel vm0, v16, v9;
	s1 =	sadd.s32 $0x200, s1;
	s30 =	simm.s32 $0xC1F0  }
0x1a2: {  	p0 =	slt.u32 s3, $0xF80;
	v13 =	vld.idx.msk [tilespmem:v13+s15+$0x0], $0xffff;
	v16 =	vmin.f32 v19, $1.270000000e+02;
	v14 =	vtrunc.f32 v14;
	v17 =	vmin.f32 v17, $1.270000000e+02;
	[tilespmem:s0+$0x10] =	vst v9;
	s0 =	smov.u32 s1  }
0x1a3: {  	v9 =	vld [tilespmem:s5+$0x30];
	v16 =	vtrunc.f32 v16;
	v17 =	vtrunc.f32 v17  }
0x1a4: {  	v19 =	vsub.f32 $0.0e+00, v10;
	v18 =	vld [tilespmem:s5+$0xFFFFFFC0];
	v16 =	vcvt.f32.s32 v16;
	v17 =	vcvt.f32.s32 v17  }
0x1a5: {  	vm0 =	vlt.f32 v3, $0.0e+00;
	v14 =	vcvt.f32.s32 v14;
	v21 =	vsub.f32 $0.0e+00, v11;
	v15 =	vld.idx.msk [tilespmem:v15+s15+$0x0], $0xffff  }
0x1a6: {  	vm1 =	vlt.f32 v2, $0.0e+00;
	vm2 =	vlt.f32 v5, $0.0e+00;
	v22 =	vand.u32 $0x7FFFFFFF, v20;
	v3 =	vld [tilespmem:s5+$0x10];
	v2 =	vmovc v20  }
0x1a7: {  	v21 =	vsel vm1, v21, v11;
	vm1 =	vlt.f32 v8, $0.0e+00;
	v8 =	vsel vm2, v19, v10;
	v20 =	vld [tilespmem:s5+$0x20]  }
0x1a8: {  	vm2 =	vlt.f32 v6, $0.0e+00;
	v11 =	vsub.f32 $0.0e+00, v13;
	v10 =	vand.u32 $0x7FFFFFFF, v9;
	[tilespmem:s1+$0xFFFFFFD0] =	vst v21;
	v12 =	vld.idx.msk [tilespmem:v12+s15+$0x0], $0xffff;
	v5 =	vmovc v9  }
0x1a9: {  	vm3 =	vlt.f32 v1, $0.0e+00;
	v19 =	vmul.f32 v22, v0;
	v9 =	vand.u32 $0x7FFFFFFF, v18;
	v21 =	vld [tilespmem:s5+$0xFFFFFFE0];
	[tilespmem:s1+$0x30] =	vst v8;
	v1 =	vmovc v18  }
0x1aa: {  	v8 =	vmul.f32 v10, v0;
	v10 =	vsel vm3, v11, v13;
	vm3 =	vlt.f32 v7, $0.0e+00;
	v6 =	vld [tilespmem:s5+$0x0]  }
0x1ab: {  	vm4 =	vlt.f32 v4, $0.0e+00;
	v7 =	vmin.f32 v19, $1.270000000e+02;
	[tilespmem:s1+$0xFFFFFFC0] =	vst v10;
	v11 =	vld.idx.msk [tilespmem:v14+s15+$0x0], $0xffff;
	v10 =	vsub.f32 $0.0e+00, v15  }
0x1ac: {  	v23 =	vtrunc.f32 v7;
	v18 =	vand.u32 $0x7FFFFFFF, v3;
	v13 =	vmin.f32 v8, $1.270000000e+02;
	v22 =	vld.idx.msk [tilespmem:v16+s15+$0x0], $0xffff;
	v4 =	vmovc v20  }
0x1ad: {  	v14 =	vmul.f32 v9, v0;
	v9 =	vtrunc.f32 v13;
	v8 =	vld [tilespmem:s5+$0xFFFFFFF0];
	v10 =	vsel vm4, v10, v15  }
0x1ae: {  	v15 =	vcvt.f32.s32 v23;
	v16 =	vcvt.f32.s32 v9;
	v19 =	vsub.f32 $0.0e+00, v12;
	v9 =	vld.idx.msk [tilespmem:v17+s15+$0x0], $0xffff;
	v7 =	vmovc v21  }
0x1af: {  	v20 =	vand.u32 $0x7FFFFFFF, v4;
	v13 =	vand.u32 $0x7FFFFFFF, v7;
	v17 =	vand.u32 $0x7FFFFFFF, v6;
	[tilespmem:s1+$0x20] =	vst v10  }
0x1b0: {  	v10 =	vmin.f32 v14, $1.270000000e+02;
	v21 =	vmul.f32 v13, v0;
	v14 =	vmul.f32 v17, v0  }
0x1b1: {  	v10 =	vtrunc.f32 v10;
	v17 =	vmul.f32 v20, v0;
	v20 =	vsub.f32 $0.0e+00, v11  }
.Ltmp9:
0x1b2: {  	v12 =	vsel vm3, v19, v12;
	v13 =	vcvt.f32.s32 v10;
	v10 =	vmin.f32 v21, $1.270000000e+02;
	(pc) =	sbr.rel @p0 .LBB2_15-.Ltmp9, $4  }
0x1b3: {  	v19 =	vand.u32 $0x7FFFFFFF, v8;
	v17 =	vmin.f32 v17, $1.270000000e+02;
	v21 =	vsub.f32 $0.0e+00, v22  }
0x1b4: {  	v23 =	vtrunc.f32 v10;
	v17 =	vtrunc.f32 v17;
	v10 =	vld.idx.msk [tilespmem:v16+s15+$0x0], $0xffff;
	[tilespmem:s1+$0xFFFFFFE0] =	vst v12;
	v16 =	vsel vm2, v20, v11  }
0x1b5: {  	v12 =	vcvt.f32.s32 v23;
	v11 =	vld.idx.msk [tilespmem:v15+s15+$0x0], $0xffff;
	v15 =	vcvt.f32.s32 v17;
	[tilespmem:s1+$0x0] =	vst v16;
	v16 =	vsub.f32 $0.0e+00, v9  }
0x1b6: {  	s5 =	sadd.s32 $0x200, s5;
	v19 =	vmul.f32 v19, v0;
	v17 =	vmul.f32 v18, v0;
	v18 =	vsel vm1, v21, v22  }
0x1b7: {  	v14 =	vmin.f32 v14, $1.270000000e+02  }
0x1b8: {  	v19 =	vmin.f32 v19, $1.270000000e+02;
	v14 =	vtrunc.f32 v14  }
0x1b9: {  	v17 =	vmin.f32 v17, $1.270000000e+02;
	v19 =	vtrunc.f32 v19;
	v14 =	vcvt.f32.s32 v14  }
0x1ba: {  	v17 =	vtrunc.f32 v17;
	v19 =	vcvt.f32.s32 v19  }
0x1bb: {  	v17 =	vcvt.f32.s32 v17  }
0x1bc: {  	v13 =	vld.idx.msk [tilespmem:v13+s15+$0x0], $0xffff  }
0x1bd: {  	v15 =	vld.idx.msk [tilespmem:v15+s15+$0x0], $0xffff  }
0x1be: {  	v12 =	vld.idx.msk [tilespmem:v12+s15+$0x0], $0xffff  }
0x1bf: {  	v9 =	vsel vm0, v16, v9;
	v16 =	vsub.f32 $0.0e+00, v10;
	v20 =	vsub.f32 $0.0e+00, v11;
	v14 =	vld.idx.msk [tilespmem:v14+s15+$0x0], $0xffff  }
0x1c0: {  	[tilespmem:s0+$0xFFFFFFF0] =	vst v18;
	vm0 =	vlt.f32 v2, $0.0e+00;
	vm1 =	vlt.f32 v5, $0.0e+00;
	v2 =	vld.idx.msk [tilespmem:v19+s15+$0x0], $0xffff  }
0x1c1: {  	s1 =	sadd.s32 $0x200, s1;
	[tilespmem:s0+$0x10] =	vst v9;
	v10 =	vsel vm1, v16, v10;
	v5 =	vsel vm0, v20, v11;
	v9 =	vsub.f32 $0.0e+00, v13;
	v11 =	vld.idx.msk [tilespmem:v17+s15+$0x0], $0xffff  }
0x1c2: {  	vm0 =	vlt.f32 v1, $0.0e+00;
	v1 =	vsub.f32 $0.0e+00, v15;
	[tilespmem:s1+$0x30] =	vst v10  }
0x1c3: {  	[tilespmem:s1+$0xFFFFFFD0] =	vst v5;
	v5 =	vsel vm0, v9, v13;
	vm0 =	vlt.f32 v4, $0.0e+00;
	v4 =	vsub.f32 $0.0e+00, v12  }
0x1c4: {  	vm1 =	vlt.f32 v7, $0.0e+00;
	[tilespmem:s1+$0xFFFFFFC0] =	vst v5;
	v1 =	vsel vm0, v1, v15;
	v5 =	vsub.f32 $0.0e+00, v14  }
0x1c5: {  	vm0 =	vlt.f32 v6, $0.0e+00;
	[tilespmem:s1+$0x20] =	vst v1;
	v1 =	vsel vm1, v4, v12;
	v4 =	vsub.f32 $0.0e+00, v2  }
0x1c6: {  	vm1 =	vlt.f32 v8, $0.0e+00;
	[tilespmem:s1+$0xFFFFFFE0] =	vst v1;
	v1 =	vsel vm0, v5, v14;
	v5 =	vsub.f32 $0.0e+00, v11  }
0x1c7: {  	vm0 =	vlt.f32 v3, $0.0e+00;
	[tilespmem:s1+$0x0] =	vst v1;
	v1 =	vsel vm1, v4, v2  }
0x1c8: {  	[tilespmem:s1+$0xFFFFFFF0] =	vst v1;
	v1 =	vsel vm0, v5, v11  }
0x1c9: {  	s5 =	simm.s32 $0x41F0;
	[tilespmem:s1+$0x10] =	vst v1  }
0x1ca: {  	v3 =	vld [tilespmem:s5+$0x0]  }
0x1cb: {  	v5 =	vld [tilespmem:s5+$0xFFFFFFA0];
	_ =	sdelay $0x1  }
0x1cc: {  	v7 =	vld [tilespmem:s5+$0xFFFFFF90];
	_ =	sdelay $0x1  }
0x1cd: {  	v1 =	vand.u32 $0x7FFFFFFF, v3  }
0x1ce: {  	v2 =	vand.u32 $0x7FFFFFFF, v5;
	v1 =	vmul.f32 v1, v0  }
0x1cf: {  	v9 =	vld [tilespmem:s5+$0xFFFFFFF0];
	v2 =	vmul.f32 v2, v0  }
0x1d0: {  	v10 =	vld [tilespmem:s5+$0xFFFFFFB0];
	v4 =	vand.u32 $0x7FFFFFFF, v7;
	v1 =	vmin.f32 v1, $1.270000000e+02  }
0x1d1: {  	v11 =	vld [tilespmem:s5+$0xFFFFFFD0];
	v4 =	vmul.f32 v4, v0;
	v2 =	vmin.f32 v2, $1.270000000e+02;
	v1 =	vtrunc.f32 v1  }
0x1d2: {  	v12 =	vld [tilespmem:s5+$0xFFFFFFC0];
	v2 =	vtrunc.f32 v2;
	v1 =	vcvt.f32.s32 v1  }
0x1d3: {  	v2 =	vcvt.f32.s32 v2  }
0x1d4: {  	v14 =	vld [tilespmem:s5+$0xFFFFFFE0];
	v4 =	vmin.f32 v4, $1.270000000e+02  }
0x1d5: {  	v6 =	vand.u32 $0x7FFFFFFF, v9;
	v4 =	vtrunc.f32 v4  }
0x1d6: {  	v6 =	vmul.f32 v6, v0;
	v4 =	vcvt.f32.s32 v4  }
0x1d7: {  	v8 =	vand.u32 $0x7FFFFFFF, v10;
	v13 =	vand.u32 $0x7FFFFFFF, v11;
	v15 =	vand.u32 $0x7FFFFFFF, v12  }
0x1d8: {  	vm1 =	vlt.f32 v5, $0.0e+00;
	v8 =	vmul.f32 v8, v0;
	v6 =	vmin.f32 v6, $1.270000000e+02;
	v16 =	vld.idx.msk [tilespmem:v1+s15+$0x0], $0xffff  }
0x1d9: {  	s31 =	simm.s32 $0x43F0;
	vm0 =	vlt.f32 v14, $0.0e+00;
	v13 =	vmul.f32 v13, v0;
	v6 =	vtrunc.f32 v6;
	v17 =	vld.idx.msk [tilespmem:v2+s15+$0x0], $0xffff  }
0x1da: {  	v6 =	vcvt.f32.s32 v6;
	v1 =	vmin.f32 v8, $1.270000000e+02;
	v8 =	vmul.f32 v15, v0;
	v2 =	vld [tilespmem:s31+$0xFFFFFFA0]  }
0x1db: {  	vm2 =	vlt.f32 v3, $0.0e+00;
	vm3 =	vlt.f32 v10, $0.0e+00;
	v1 =	vtrunc.f32 v1  }
0x1dc: {  	v13 =	vmin.f32 v13, $1.270000000e+02;
	v18 =	vld.idx.msk [tilespmem:v4+s15+$0x0], $0xffff;
	v15 =	vcvt.f32.s32 v1;
	v1 =	vmin.f32 v8, $1.270000000e+02  }
0x1dd: {  	v4 =	vld [tilespmem:s31+$0x0];
	v8 =	vtrunc.f32 v13;
	v13 =	vand.u32 $0x7FFFFFFF, v14;
	v19 =	vtrunc.f32 v1  }
0x1de: {  	vm4 =	vlt.f32 v11, $0.0e+00;
	v20 =	vcvt.f32.s32 v8;
	v1 =	vld [tilespmem:s31+$0xFFFFFF90];
	v8 =	vmul.f32 v13, v0  }
0x1df: {  	v13 =	vsub.f32 $0.0e+00, v16;
	v5 =	vsub.f32 $0.0e+00, v17;
	v14 =	vand.u32 $0x7FFFFFFF, v2  }
0x1e0: {  	v19 =	vcvt.f32.s32 v19;
	v21 =	vmin.f32 v8, $1.270000000e+02;
	v8 =	vld.idx.msk [tilespmem:v6+s15+$0x0], $0xffff;
	v14 =	vmul.f32 v14, v0  }
0x1e1: {  	v6 =	vld [tilespmem:s31+$0xFFFFFFC0];
	v17 =	vsel vm1, v5, v17;
	v5 =	vtrunc.f32 v21;
	v13 =	vsel vm2, v13, v16  }
0x1e2: {  	v3 =	vld [tilespmem:s31+$0xFFFFFFB0];
	v16 =	vand.u32 $0x7FFFFFFF, v4;
	v21 =	vsub.f32 $0.0e+00, v18;
	vm1 =	vlt.f32 v7, $0.0e+00  }
0x1e3: {  	v22 =	vcvt.f32.s32 v5;
	v23 =	vand.u32 $0x7FFFFFFF, v1;
	v15 =	vld.idx.msk [tilespmem:v15+s15+$0x0], $0xffff;
	v7 =	vmul.f32 v16, v0  }
0x1e4: {  	v5 =	vld [tilespmem:s31+$0xFFFFFFF0];
	v18 =	vsel vm1, v21, v18;
	vm1 =	vlt.f32 v9, $0.0e+00;
	v9 =	vmin.f32 v14, $1.270000000e+02  }
0x1e5: {  	vm2 =	vlt.f32 v12, $0.0e+00;
	v14 =	vld.idx.msk [tilespmem:v20+s15+$0x0], $0xffff;
	v16 =	vmul.f32 v23, v0;
	v9 =	vtrunc.f32 v9  }
0x1e6: {  	v12 =	vmin.f32 v7, $1.270000000e+02;
	v10 =	vsub.f32 $0.0e+00, v8;
	v7 =	vld [tilespmem:s31+$0xFFFFFFD0];
	v21 =	vand.u32 $0x7FFFFFFF, v6  }
0x1e7: {  	v12 =	vtrunc.f32 v12;
	v20 =	vcvt.f32.s32 v9;
	v9 =	vand.u32 $0x7FFFFFFF, v3  }
0x1e8: {  	v23 =	vld.idx.msk [tilespmem:v19+s15+$0x0], $0xffff;
	v16 =	vmin.f32 v16, $1.270000000e+02;
	v11 =	vcvt.f32.s32 v12;
	v19 =	vsub.f32 $0.0e+00, v15  }
0x1e9: {  	v24 =	vmul.f32 v9, v0;
	v16 =	vtrunc.f32 v16;
	v12 =	vld.idx.msk [tilespmem:v22+s15+$0x0], $0xffff;
	v22 =	vand.u32 $0x7FFFFFFF, v5  }
0x1ea: {  	v9 =	vld [tilespmem:s31+$0xFFFFFFE0];
	v15 =	vsel vm3, v19, v15;
	v19 =	vmul.f32 v22, v0;
	v22 =	vsub.f32 $0.0e+00, v14  }
0x1eb: {  	[tilespmem:s30+$0xFFFFFFA0] =	vst v17;
	v16 =	vcvt.f32.s32 v16;
	v24 =	vmin.f32 v24, $1.270000000e+02;
	v17 =	vand.u32 $0x7FFFFFFF, v7  }
0x1ec: {  	[tilespmem:s30+$0x0] =	vst v13;
	v17 =	vmul.f32 v17, v0;
	v13 =	vmin.f32 v19, $1.270000000e+02;
	v19 =	vsel vm4, v22, v14  }
0x1ed: {  	[tilespmem:s30+$0xFFFFFF90] =	vst v18;
	v14 =	vtrunc.f32 v24;
	v22 =	vsub.f32 $0.0e+00, v23;
	v18 =	vtrunc.f32 v13  }
0x1ee: {  	[tilespmem:s30+$0xFFFFFFB0] =	vst v15;
	v11 =	vld.idx.msk [tilespmem:v11+s15+$0x0], $0xffff;
	v13 =	vcvt.f32.s32 v14;
	v15 =	vcvt.f32.s32 v18;
	v18 =	vsub.f32 $0.0e+00, v12  }
0x1ef: {  	s3 =	simm.s32 $0x45F0;
	s0 =	simm.s32 $0xC1F0;
	s1 =	simm.s32 $0x80;
	v14 =	vld.idx.msk [tilespmem:v20+s15+$0x0], $0xffff;
	[tilespmem:s30+$0xFFFFFFD0] =	vst v19;
	v20 =	vmul.f32 v21, v0;
	v19 =	vand.u32 $0x7FFFFFFF, v9;
	v21 =	vsel vm2, v22, v23  }
.LBB2_17:
0x1f0: {  	v22 =	vld [tilespmem:s3+$0xFFFFFFA0];
	s1 =	sadd.s32 $0x80, s1;
	v17 =	vmin.f32 v17, $1.270000000e+02;
	[tilespmem:s30+$0xFFFFFFC0] =	vst v21;
	v12 =	vsel vm0, v18, v12;
	v8 =	vsel vm1, v10, v8;
	s0 =	sadd.s32 $0x200, s0  }
0x1f1: {  	p0 =	slt.u32 s1, $0xF80;
	v10 =	vld.idx.msk [tilespmem:v16+s15+$0x0], $0xffff;
	v16 =	vmin.f32 v20, $1.270000000e+02;
	v17 =	vtrunc.f32 v17;
	[tilespmem:s30+$0xFFFFFFE0] =	vst v12  }
0x1f2: {  	v12 =	vld [tilespmem:s3+$0x0];
	v16 =	vtrunc.f32 v16;
	v17 =	vcvt.f32.s32 v17;
	[tilespmem:s30+$0xFFFFFFF0] =	vst v8;
	s30 =	smov.u32 s0  }
0x1f3: {  	v8 =	vmul.f32 v19, v0;
	v19 =	vsub.f32 $0.0e+00, v11;
	v18 =	vld [tilespmem:s3+$0xFFFFFF90];
	v16 =	vcvt.f32.s32 v16  }
0x1f4: {  	vm1 =	vlt.f32 v2, $0.0e+00;
	vm0 =	vlt.f32 v9, $0.0e+00;
	v21 =	vsub.f32 $0.0e+00, v14;
	v20 =	vld [tilespmem:s3+$0xFFFFFFB0]  }
0x1f5: {  	vm2 =	vlt.f32 v4, $0.0e+00;
	v23 =	vmin.f32 v8, $1.270000000e+02;
	v9 =	vand.u32 $0x7FFFFFFF, v22;
	v8 =	vld.idx.msk [tilespmem:v15+s15+$0x0], $0xffff;
	v2 =	vmovc v22  }
0x1f6: {  	v11 =	vsel vm2, v19, v11;
	v24 =	vsel vm1, v21, v14;
	v14 =	vtrunc.f32 v23;
	v15 =	vld [tilespmem:s3+$0xFFFFFFF0]  }
0x1f7: {  	v22 =	vsub.f32 $0.0e+00, v10;
	v14 =	vcvt.f32.s32 v14;
	v19 =	vld [tilespmem:s3+$0xFFFFFFC0];
	v21 =	vand.u32 $0x7FFFFFFF, v12;
	[tilespmem:s0+$0xFFFFFFA0] =	vst v24;
	v4 =	vmovc v12  }
0x1f8: {  	vm1 =	vlt.f32 v1, $0.0e+00;
	v9 =	vmul.f32 v9, v0;
	v12 =	vand.u32 $0x7FFFFFFF, v18;
	v13 =	vld.idx.msk [tilespmem:v13+s15+$0x0], $0xffff;
	[tilespmem:s0+$0x0] =	vst v11;
	v1 =	vmovc v18  }
0x1f9: {  	v18 =	vmul.f32 v21, v0;
	v10 =	vsel vm1, v22, v10;
	vm1 =	vlt.f32 v5, $0.0e+00;
	v11 =	vld [tilespmem:s3+$0xFFFFFFD0]  }
0x1fa: {  	vm3 =	vlt.f32 v3, $0.0e+00;
	vm2 =	vlt.f32 v6, $0.0e+00;
	v22 =	vmin.f32 v9, $1.270000000e+02;
	v3 =	vmovc v20;
	[tilespmem:s0+$0xFFFFFF90] =	vst v10;
	v21 =	vld.idx.msk [tilespmem:v17+s15+$0x0], $0xffff  }
0x1fb: {  	v9 =	vtrunc.f32 v22;
	v17 =	vmin.f32 v18, $1.270000000e+02;
	v10 =	vsub.f32 $0.0e+00, v8;
	v5 =	vmovc v15  }
0x1fc: {  	vm4 =	vlt.f32 v7, $0.0e+00;
	v15 =	vmul.f32 v12, v0;
	v12 =	vtrunc.f32 v17;
	v22 =	vld.idx.msk [tilespmem:v16+s15+$0x0], $0xffff;
	v6 =	vmovc v19  }
0x1fd: {  	v18 =	vcvt.f32.s32 v9;
	v20 =	vcvt.f32.s32 v12;
	v19 =	vand.u32 $0x7FFFFFFF, v6;
	v12 =	vld.idx.msk [tilespmem:v14+s15+$0x0], $0xffff  }
0x1fe: {  	v9 =	vand.u32 $0x7FFFFFFF, v3;
	v16 =	vand.u32 $0x7FFFFFFF, v5;
	v14 =	vand.u32 $0x7FFFFFFF, v11;
	v7 =	vmovc v11  }
0x1ff: {  	v23 =	vsub.f32 $0.0e+00, v13;
	v11 =	vmin.f32 v15, $1.270000000e+02;
	v15 =	vmul.f32 v9, v0  }
0x200: {  	v24 =	vmul.f32 v16, v0;
	v11 =	vtrunc.f32 v11;
	v25 =	vsub.f32 $0.0e+00, v21;
	v9 =	vld [tilespmem:s3+$0xFFFFFFE0]  }
.Ltmp10:
0x201: {  	v17 =	vmul.f32 v14, v0;
	v16 =	vcvt.f32.s32 v11;
	v11 =	vmin.f32 v15, $1.270000000e+02;
	(pc) =	sbr.rel @p0 .LBB2_17-.Ltmp10, $4  }
0x202: {  	v14 =	vmin.f32 v24, $1.270000000e+02;
	v13 =	vsel vm3, v23, v13;
	v21 =	vsel vm4, v25, v21  }
0x203: {  	v23 =	vtrunc.f32 v14;
	v15 =	vtrunc.f32 v11;
	v24 =	vsub.f32 $0.0e+00, v22;
	v11 =	vld.idx.msk [tilespmem:v20+s15+$0x0], $0xffff;
	[tilespmem:s0+$0xFFFFFFB0] =	vst v13  }
0x204: {  	v13 =	vcvt.f32.s32 v15;
	v15 =	vcvt.f32.s32 v23;
	v14 =	vld.idx.msk [tilespmem:v18+s15+$0x0], $0xffff;
	[tilespmem:s0+$0xFFFFFFD0] =	vst v21;
	v18 =	vsub.f32 $0.0e+00, v12  }
0x205: {  	s3 =	sadd.s32 $0x200, s3;
	v20 =	vmul.f32 v19, v0;
	v21 =	vsel vm2, v24, v22;
	v19 =	vand.u32 $0x7FFFFFFF, v9  }
0x206: {  	v17 =	vmin.f32 v17, $1.270000000e+02;
	v19 =	vmul.f32 v19, v0  }
0x207: {  	v20 =	vmin.f32 v20, $1.270000000e+02;
	v17 =	vtrunc.f32 v17  }
0x208: {  	v20 =	vtrunc.f32 v20;
	v17 =	vcvt.f32.s32 v17;
	v19 =	vmin.f32 v19, $1.270000000e+02  }
0x209: {  	v20 =	vcvt.f32.s32 v20;
	v19 =	vtrunc.f32 v19  }
0x20a: {  	v19 =	vcvt.f32.s32 v19;
	_ =	sdelay $0x1  }
0x20b: {  	v16 =	vld.idx.msk [tilespmem:v16+s15+$0x0], $0xffff  }
0x20c: {  	v13 =	vld.idx.msk [tilespmem:v13+s15+$0x0], $0xffff  }
0x20d: {  	v17 =	vld.idx.msk [tilespmem:v17+s15+$0x0], $0xffff  }
0x20e: {  	[tilespmem:s30+$0xFFFFFFC0] =	vst v21;
	v12 =	vsel vm0, v18, v12;
	v8 =	vsel vm1, v10, v8;
	v10 =	vsub.f32 $0.0e+00, v11;
	v20 =	vld.idx.msk [tilespmem:v20+s15+$0x0], $0xffff  }
0x20f: {  	vm0 =	vlt.f32 v2, $0.0e+00;
	vm1 =	vlt.f32 v4, $0.0e+00;
	[tilespmem:s30+$0xFFFFFFE0] =	vst v12;
	v18 =	vsub.f32 $0.0e+00, v14;
	v2 =	vld.idx.msk [tilespmem:v19+s15+$0x0], $0xffff  }
0x210: {  	s0 =	sadd.s32 $0x200, s0;
	[tilespmem:s30+$0xFFFFFFF0] =	vst v8;
	v8 =	vld.idx.msk [tilespmem:v15+s15+$0x0], $0xffff;
	v10 =	vsel vm1, v10, v11;
	v12 =	vsub.f32 $0.0e+00, v16  }
0x211: {  	v4 =	vsel vm0, v18, v14;
	vm0 =	vlt.f32 v1, $0.0e+00;
	v1 =	vsub.f32 $0.0e+00, v13;
	[tilespmem:s0+$0x0] =	vst v10  }
0x212: {  	[tilespmem:s0+$0xFFFFFFA0] =	vst v4;
	v4 =	vsel vm0, v12, v16;
	vm0 =	vlt.f32 v3, $0.0e+00;
	v3 =	vsub.f32 $0.0e+00, v17  }
0x213: {  	vm1 =	vlt.f32 v7, $0.0e+00;
	[tilespmem:s0+$0xFFFFFF90] =	vst v4;
	v1 =	vsel vm0, v1, v13;
	v4 =	vsub.f32 $0.0e+00, v20  }
0x214: {  	vm0 =	vlt.f32 v6, $0.0e+00;
	[tilespmem:s0+$0xFFFFFFB0] =	vst v1;
	v3 =	vsel vm1, v3, v17;
	v1 =	vsub.f32 $0.0e+00, v2  }
0x215: {  	v6 =	vsub.f32 $0.0e+00, v8;
	vm1 =	vlt.f32 v9, $0.0e+00;
	[tilespmem:s0+$0xFFFFFFD0] =	vst v3;
	v3 =	vsel vm0, v4, v20  }
0x216: {  	vm0 =	vlt.f32 v5, $0.0e+00;
	[tilespmem:s0+$0xFFFFFFC0] =	vst v3;
	v1 =	vsel vm1, v1, v2  }
0x217: {  	v2 =	vsel vm0, v6, v8;
	[tilespmem:s0+$0xFFFFFFE0] =	vst v1  }
0x218: {  	s1 =	simm.s32 $0x4270;
	[tilespmem:s0+$0xFFFFFFF0] =	vst v2  }
0x219: {  	v3 =	vld [tilespmem:s1+$0x0]  }
0x21a: {  	v4 =	vld [tilespmem:s1+$0xFFFFFFA0];
	_ =	sdelay $0x1  }
0x21b: {  	v6 =	vld [tilespmem:s1+$0xFFFFFF90];
	_ =	sdelay $0x1  }
0x21c: {  	v8 =	vld [tilespmem:s1+$0xFFFFFFF0];
	v1 =	vand.u32 $0x7FFFFFFF, v3  }
0x21d: {  	v2 =	vand.u32 $0x7FFFFFFF, v4;
	v1 =	vmul.f32 v1, v0  }
0x21e: {  	v2 =	vmul.f32 v2, v0  }
0x21f: {  	v5 =	vand.u32 $0x7FFFFFFF, v6;
	v1 =	vmin.f32 v1, $1.270000000e+02  }
0x220: {  	v5 =	vmul.f32 v5, v0;
	v2 =	vmin.f32 v2, $1.270000000e+02;
	v1 =	vtrunc.f32 v1  }
0x221: {  	v9 =	vld [tilespmem:s1+$0xFFFFFFB0];
	v12 =	vand.u32 $0x7FFFFFFF, v8;
	v2 =	vtrunc.f32 v2;
	v1 =	vcvt.f32.s32 v1  }
0x222: {  	v7 =	vld [tilespmem:s1+$0xFFFFFFE0];
	v12 =	vmul.f32 v12, v0;
	v5 =	vmin.f32 v5, $1.270000000e+02;
	v2 =	vcvt.f32.s32 v2  }
0x223: {  	v10 =	vld [tilespmem:s1+$0xFFFFFFD0];
	v5 =	vtrunc.f32 v5  }
0x224: {  	v11 =	vld [tilespmem:s1+$0xFFFFFFC0];
	v12 =	vmin.f32 v12, $1.270000000e+02;
	v5 =	vcvt.f32.s32 v5  }
0x225: {  	s31 =	simm.s32 $0x4470;
	v12 =	vtrunc.f32 v12  }
0x226: {  	vm3 =	vlt.f32 v6, $0.0e+00;
	v6 =	vld [tilespmem:s31+$0xFFFFFFD0];
	v12 =	vcvt.f32.s32 v12  }
0x227: {  	v13 =	vand.u32 $0x7FFFFFFF, v9;
	v17 =	vld.idx.msk [tilespmem:v1+s15+$0x0], $0xffff  }
0x228: {  	v14 =	vand.u32 $0x7FFFFFFF, v7;
	v15 =	vand.u32 $0x7FFFFFFF, v10;
	v13 =	vmul.f32 v13, v0;
	v18 =	vld.idx.msk [tilespmem:v2+s15+$0x0], $0xffff  }
0x229: {  	v16 =	vand.u32 $0x7FFFFFFF, v11;
	vm0 =	vlt.f32 v7, $0.0e+00;
	v15 =	vmul.f32 v15, v0;
	v2 =	vld [tilespmem:s31+$0xFFFFFFA0]  }
0x22a: {  	v14 =	vmul.f32 v14, v0;
	v13 =	vmin.f32 v13, $1.270000000e+02;
	v1 =	vmul.f32 v16, v0;
	v16 =	vld.idx.msk [tilespmem:v5+s15+$0x0], $0xffff  }
0x22b: {  	vm1 =	vlt.f32 v4, $0.0e+00;
	vm2 =	vlt.f32 v3, $0.0e+00;
	v13 =	vtrunc.f32 v13;
	v5 =	vld [tilespmem:s31+$0x0]  }
0x22c: {  	v15 =	vmin.f32 v15, $1.270000000e+02;
	v14 =	vmin.f32 v14, $1.270000000e+02;
	v13 =	vcvt.f32.s32 v13;
	v12 =	vld.idx.msk [tilespmem:v12+s15+$0x0], $0xffff  }
0x22d: {  	vm4 =	vlt.f32 v8, $0.0e+00;
	v15 =	vtrunc.f32 v15;
	v14 =	vtrunc.f32 v14  }
0x22e: {  	v14 =	vcvt.f32.s32 v14;
	v15 =	vcvt.f32.s32 v15;
	v1 =	vmin.f32 v1, $1.270000000e+02  }
0x22f: {  	v23 =	vand.u32 $0x7FFFFFFF, v6;
	v19 =	vtrunc.f32 v1;
	v1 =	vld [tilespmem:s31+$0xFFFFFF90];
	v58 =	vsub.f32 $0.0e+00, v18  }
0x230: {  	v19 =	vcvt.f32.s32 v19;
	v20 =	vsub.f32 $0.0e+00, v17;
	v7 =	vand.u32 $0x7FFFFFFF, v2  }
0x231: {  	v4 =	vld [tilespmem:s31+$0xFFFFFFF0];
	v3 =	vand.u32 $0x7FFFFFFF, v5;
	v8 =	vsub.f32 $0.0e+00, v12;
	v18 =	vsel vm1, v58, v18  }
0x232: {  	v13 =	vld.idx.msk [tilespmem:v13+s15+$0x0], $0xffff;
	vm1 =	vlt.f32 v11, $0.0e+00;
	v11 =	vsel vm2, v20, v17;
	v17 =	vsub.f32 $0.0e+00, v16  }
0x233: {  	v59 =	vmul.f32 v3, v0;
	vm2 =	vlt.f32 v10, $0.0e+00;
	v20 =	vmul.f32 v7, v0;
	v7 =	vld [tilespmem:s31+$0xFFFFFFB0]  }
0x234: {  	v15 =	vld.idx.msk [tilespmem:v15+s15+$0x0], $0xffff;
	v10 =	vand.u32 $0x7FFFFFFF, v1;
	v16 =	vsel vm3, v17, v16;
	vm3 =	vlt.f32 v9, $0.0e+00  }
0x235: {  	v3 =	vld [tilespmem:s31+$0xFFFFFFE0];
	v9 =	vmin.f32 v20, $1.270000000e+02;
	v17 =	vmin.f32 v59, $1.270000000e+02;
	v10 =	vmul.f32 v10, v0  }
0x236: {  	v12 =	vsel vm4, v8, v12;
	v8 =	vld [tilespmem:s31+$0xFFFFFFC0];
	v9 =	vtrunc.f32 v9;
	v17 =	vtrunc.f32 v17  }
0x237: {  	v20 =	vld.idx.msk [tilespmem:v19+s15+$0x0], $0xffff;
	v19 =	vsub.f32 $0.0e+00, v13;
	v60 =	vcvt.f32.s32 v9;
	v17 =	vcvt.f32.s32 v17  }
0x238: {  	s0 =	simm.s32 $0xC270;
	v9 =	vld.idx.msk [tilespmem:v14+s15+$0x0], $0xffff;
	v10 =	vmin.f32 v10, $1.270000000e+02;
	v14 =	vmul.f32 v23, v0;
	v22 =	vand.u32 $0x7FFFFFFF, v7  }
0x239: {  	[tilespmem:s0+$0xFFFFFFA0] =	vst v18;
	v19 =	vsel vm3, v19, v13;
	v13 =	vand.u32 $0x7FFFFFFF, v4;
	v10 =	vtrunc.f32 v10  }
0x23a: {  	[tilespmem:s0+$0x0] =	vst v11;
	v11 =	vsub.f32 $0.0e+00, v15;
	v22 =	vmul.f32 v22, v0;
	v61 =	vmul.f32 v13, v0  }
0x23b: {  	[tilespmem:s0+$0xFFFFFF90] =	vst v16;
	v18 =	vand.u32 $0x7FFFFFFF, v3;
	v62 =	vand.u32 $0x7FFFFFFF, v8;
	v13 =	vcvt.f32.s32 v10  }
0x23c: {  	[tilespmem:s0+$0xFFFFFFB0] =	vst v19;
	v19 =	vmul.f32 v62, v0;
	v10 =	vmin.f32 v22, $1.270000000e+02;
	v16 =	vmin.f32 v61, $1.270000000e+02  }
0x23d: {  	[tilespmem:s0+$0xFFFFFFF0] =	vst v12;
	v63 =	vsub.f32 $0.0e+00, v20;
	v12 =	vtrunc.f32 v10;
	v16 =	vtrunc.f32 v16  }
0x23e: {  	v10 =	vld.idx.msk [tilespmem:v17+s15+$0x0], $0xffff;
	v17 =	vsel vm2, v11, v15;
	v15 =	vcvt.f32.s32 v16;
	v16 =	vsub.f32 $0.0e+00, v9  }
0x23f: {  	s3 =	simm.s32 $0x80;
	s5 =	simm.s32 $0x4670;
	s1 =	simm.s32 $0xC270;
	v11 =	vld.idx.msk [tilespmem:v60+s15+$0x0], $0xffff;
	v12 =	vcvt.f32.s32 v12;
	[tilespmem:s0+$0xFFFFFFD0] =	vst v17;
	v17 =	vmul.f32 v18, v0;
	v18 =	vsel vm1, v63, v20  }
.LBB2_19:
0x240: {  	v20 =	vld [tilespmem:s5+$0xFFFFFFA0];
	s3 =	sadd.s32 $0x80, s3;
	v14 =	vmin.f32 v14, $1.270000000e+02;
	[tilespmem:s0+$0xFFFFFFC0] =	vst v18;
	v9 =	vsel vm0, v16, v9;
	s1 =	sadd.s32 $0x200, s1;
	s30 =	simm.s32 $0xC2F0  }
0x241: {  	p0 =	slt.u32 s3, $0xF80;
	v13 =	vld.idx.msk [tilespmem:v13+s15+$0x0], $0xffff;
	v16 =	vmin.f32 v19, $1.270000000e+02;
	v14 =	vtrunc.f32 v14;
	v17 =	vmin.f32 v17, $1.270000000e+02;
	[tilespmem:s0+$0xFFFFFFE0] =	vst v9;
	s0 =	smov.u32 s1  }
0x242: {  	v9 =	vld [tilespmem:s5+$0x0];
	v16 =	vtrunc.f32 v16;
	v17 =	vtrunc.f32 v17  }
0x243: {  	v19 =	vsub.f32 $0.0e+00, v10;
	v18 =	vld [tilespmem:s5+$0xFFFFFF90];
	v16 =	vcvt.f32.s32 v16;
	v17 =	vcvt.f32.s32 v17  }
0x244: {  	vm0 =	vlt.f32 v3, $0.0e+00;
	v14 =	vcvt.f32.s32 v14;
	v21 =	vsub.f32 $0.0e+00, v11;
	v15 =	vld.idx.msk [tilespmem:v15+s15+$0x0], $0xffff  }
0x245: {  	vm1 =	vlt.f32 v2, $0.0e+00;
	vm2 =	vlt.f32 v5, $0.0e+00;
	v22 =	vand.u32 $0x7FFFFFFF, v20;
	v3 =	vld [tilespmem:s5+$0xFFFFFFE0];
	v2 =	vmovc v20  }
0x246: {  	v21 =	vsel vm1, v21, v11;
	vm1 =	vlt.f32 v8, $0.0e+00;
	v8 =	vsel vm2, v19, v10;
	v20 =	vld [tilespmem:s5+$0xFFFFFFF0]  }
0x247: {  	vm2 =	vlt.f32 v6, $0.0e+00;
	v11 =	vsub.f32 $0.0e+00, v13;
	v10 =	vand.u32 $0x7FFFFFFF, v9;
	[tilespmem:s1+$0xFFFFFFA0] =	vst v21;
	v12 =	vld.idx.msk [tilespmem:v12+s15+$0x0], $0xffff;
	v5 =	vmovc v9  }
0x248: {  	vm3 =	vlt.f32 v1, $0.0e+00;
	v19 =	vmul.f32 v22, v0;
	v9 =	vand.u32 $0x7FFFFFFF, v18;
	v21 =	vld [tilespmem:s5+$0xFFFFFFB0];
	[tilespmem:s1+$0x0] =	vst v8;
	v1 =	vmovc v18  }
0x249: {  	v8 =	vmul.f32 v10, v0;
	v10 =	vsel vm3, v11, v13;
	vm3 =	vlt.f32 v7, $0.0e+00;
	v6 =	vld [tilespmem:s5+$0xFFFFFFD0]  }
0x24a: {  	vm4 =	vlt.f32 v4, $0.0e+00;
	v7 =	vmin.f32 v19, $1.270000000e+02;
	[tilespmem:s1+$0xFFFFFF90] =	vst v10;
	v11 =	vld.idx.msk [tilespmem:v14+s15+$0x0], $0xffff;
	v10 =	vsub.f32 $0.0e+00, v15  }
0x24b: {  	v23 =	vtrunc.f32 v7;
	v18 =	vand.u32 $0x7FFFFFFF, v3;
	v13 =	vmin.f32 v8, $1.270000000e+02;
	v22 =	vld.idx.msk [tilespmem:v16+s15+$0x0], $0xffff;
	v4 =	vmovc v20  }
0x24c: {  	v14 =	vmul.f32 v9, v0;
	v9 =	vtrunc.f32 v13;
	v8 =	vld [tilespmem:s5+$0xFFFFFFC0];
	v10 =	vsel vm4, v10, v15  }
0x24d: {  	v15 =	vcvt.f32.s32 v23;
	v16 =	vcvt.f32.s32 v9;
	v19 =	vsub.f32 $0.0e+00, v12;
	v9 =	vld.idx.msk [tilespmem:v17+s15+$0x0], $0xffff;
	v7 =	vmovc v21  }
0x24e: {  	v20 =	vand.u32 $0x7FFFFFFF, v4;
	v13 =	vand.u32 $0x7FFFFFFF, v7;
	v17 =	vand.u32 $0x7FFFFFFF, v6;
	[tilespmem:s1+$0xFFFFFFF0] =	vst v10  }
0x24f: {  	v10 =	vmin.f32 v14, $1.270000000e+02;
	v21 =	vmul.f32 v13, v0;
	v14 =	vmul.f32 v17, v0  }
0x250: {  	v10 =	vtrunc.f32 v10;
	v17 =	vmul.f32 v20, v0;
	v20 =	vsub.f32 $0.0e+00, v11  }
.Ltmp11:
0x251: {  	v12 =	vsel vm3, v19, v12;
	v13 =	vcvt.f32.s32 v10;
	v10 =	vmin.f32 v21, $1.270000000e+02;
	(pc) =	sbr.rel @p0 .LBB2_19-.Ltmp11, $4  }
0x252: {  	v19 =	vand.u32 $0x7FFFFFFF, v8;
	v17 =	vmin.f32 v17, $1.270000000e+02;
	v21 =	vsub.f32 $0.0e+00, v22  }
0x253: {  	v23 =	vtrunc.f32 v10;
	v17 =	vtrunc.f32 v17;
	v10 =	vld.idx.msk [tilespmem:v16+s15+$0x0], $0xffff;
	[tilespmem:s1+$0xFFFFFFB0] =	vst v12;
	v16 =	vsel vm2, v20, v11  }
0x254: {  	v12 =	vcvt.f32.s32 v23;
	v11 =	vld.idx.msk [tilespmem:v15+s15+$0x0], $0xffff;
	v15 =	vcvt.f32.s32 v17;
	[tilespmem:s1+$0xFFFFFFD0] =	vst v16;
	v16 =	vsub.f32 $0.0e+00, v9  }
0x255: {  	s5 =	sadd.s32 $0x200, s5;
	v19 =	vmul.f32 v19, v0;
	v17 =	vmul.f32 v18, v0;
	v18 =	vsel vm1, v21, v22  }
0x256: {  	v14 =	vmin.f32 v14, $1.270000000e+02  }
0x257: {  	v19 =	vmin.f32 v19, $1.270000000e+02;
	v14 =	vtrunc.f32 v14  }
0x258: {  	v17 =	vmin.f32 v17, $1.270000000e+02;
	v19 =	vtrunc.f32 v19;
	v14 =	vcvt.f32.s32 v14  }
0x259: {  	v17 =	vtrunc.f32 v17;
	v19 =	vcvt.f32.s32 v19  }
0x25a: {  	v17 =	vcvt.f32.s32 v17  }
0x25b: {  	v13 =	vld.idx.msk [tilespmem:v13+s15+$0x0], $0xffff  }
0x25c: {  	v15 =	vld.idx.msk [tilespmem:v15+s15+$0x0], $0xffff  }
0x25d: {  	v12 =	vld.idx.msk [tilespmem:v12+s15+$0x0], $0xffff  }
0x25e: {  	v9 =	vsel vm0, v16, v9;
	v16 =	vsub.f32 $0.0e+00, v10;
	v20 =	vsub.f32 $0.0e+00, v11;
	v14 =	vld.idx.msk [tilespmem:v14+s15+$0x0], $0xffff  }
0x25f: {  	[tilespmem:s0+$0xFFFFFFC0] =	vst v18;
	vm0 =	vlt.f32 v2, $0.0e+00;
	vm1 =	vlt.f32 v5, $0.0e+00;
	v2 =	vld.idx.msk [tilespmem:v19+s15+$0x0], $0xffff  }
0x260: {  	s1 =	sadd.s32 $0x200, s1;
	[tilespmem:s0+$0xFFFFFFE0] =	vst v9;
	v10 =	vsel vm1, v16, v10;
	v5 =	vsel vm0, v20, v11;
	v9 =	vsub.f32 $0.0e+00, v13;
	v11 =	vld.idx.msk [tilespmem:v17+s15+$0x0], $0xffff  }
0x261: {  	vm0 =	vlt.f32 v1, $0.0e+00;
	v1 =	vsub.f32 $0.0e+00, v15;
	[tilespmem:s1+$0x0] =	vst v10  }
0x262: {  	[tilespmem:s1+$0xFFFFFFA0] =	vst v5;
	v5 =	vsel vm0, v9, v13;
	vm0 =	vlt.f32 v4, $0.0e+00;
	v4 =	vsub.f32 $0.0e+00, v12  }
0x263: {  	vm1 =	vlt.f32 v7, $0.0e+00;
	[tilespmem:s1+$0xFFFFFF90] =	vst v5;
	v1 =	vsel vm0, v1, v15;
	v5 =	vsub.f32 $0.0e+00, v14  }
0x264: {  	vm0 =	vlt.f32 v6, $0.0e+00;
	[tilespmem:s1+$0xFFFFFFF0] =	vst v1;
	v1 =	vsel vm1, v4, v12;
	v4 =	vsub.f32 $0.0e+00, v2  }
0x265: {  	vm1 =	vlt.f32 v8, $0.0e+00;
	[tilespmem:s1+$0xFFFFFFB0] =	vst v1;
	v1 =	vsel vm0, v5, v14;
	v5 =	vsub.f32 $0.0e+00, v11  }
0x266: {  	vm0 =	vlt.f32 v3, $0.0e+00;
	[tilespmem:s1+$0xFFFFFFD0] =	vst v1;
	v1 =	vsel vm1, v4, v2  }
0x267: {  	[tilespmem:s1+$0xFFFFFFC0] =	vst v1;
	v1 =	vsel vm0, v5, v11  }
0x268: {  	s5 =	simm.s32 $0x42F0;
	[tilespmem:s1+$0xFFFFFFE0] =	vst v1  }
0x269: {  	v3 =	vld [tilespmem:s5+$0xFFFFFF90]  }
0x26a: {  	v4 =	vld [tilespmem:s5+$0xFFFFFFB0]  }
0x26b: {  	v5 =	vld [tilespmem:s5+$0x0]  }
0x26c: {  	v6 =	vld [tilespmem:s5+$0xFFFFFFA0]  }
0x26d: {  	v8 =	vld [tilespmem:s5+$0xFFFFFFE0]  }
0x26e: {  	v9 =	vld [tilespmem:s5+$0xFFFFFFC0]  }
0x26f: {  	v13 =	vld [tilespmem:s5+$0xFFFFFFD0];
	_ =	sdelay $0x1  }
0x270: {  	v7 =	vld [tilespmem:s5+$0xFFFFFFF0]  }
0x271: {  	v1 =	vand.u32 $0x7FFFFFFF, v3;
	v2 =	vand.u32 $0x7FFFFFFF, v4  }
0x272: {  	v10 =	vand.u32 $0x7FFFFFFF, v5;
	v11 =	vand.u32 $0x7FFFFFFF, v6;
	v14 =	vand.u32 $0x7FFFFFFF, v9  }
0x273: {  	v15 =	vand.u32 $0x7FFFFFFF, v8;
	v17 =	vand.u32 $0x7FFFFFFF, v13;
	vm0 =	vlt.f32 v5, $0.0e+00  }
0x274: {  	vm3 =	vlt.f32 v3, $0.0e+00;
	vm5 =	vlt.f32 v13, $0.0e+00;
	v1 =	vmul.f32 v1, v0  }
0x275: {  	vm1 =	vlt.f32 v7, $0.0e+00;
	v2 =	vmul.f32 v2, v0;
	v10 =	vmul.f32 v10, v0  }
0x276: {  	vm4 =	vlt.f32 v8, $0.0e+00;
	v11 =	vmul.f32 v11, v0;
	v14 =	vmul.f32 v14, v0  }
0x277: {  	v15 =	vmul.f32 v15, v0;
	v17 =	vmul.f32 v17, v0;
	v1 =	vmin.f32 v1, $1.270000000e+02  }
0x278: {  	v11 =	vmin.f32 v11, $1.270000000e+02;
	v10 =	vmin.f32 v10, $1.270000000e+02;
	v14 =	vmin.f32 v14, $1.270000000e+02  }
0x279: {  	v12 =	vtrunc.f32 v1;
	v1 =	vmin.f32 v2, $1.270000000e+02;
	v11 =	vtrunc.f32 v11  }
0x27a: {  	s31 =	simm.s32 $0x44F0;
	v2 =	vand.u32 $0x7FFFFFFF, v7;
	v14 =	vtrunc.f32 v14;
	v11 =	vcvt.f32.s32 v11  }
0x27b: {  	v3 =	vld [tilespmem:s31+$0xFFFFFFF0];
	v17 =	vmin.f32 v17, $1.270000000e+02;
	v1 =	vtrunc.f32 v1;
	v2 =	vmul.f32 v2, v0  }
0x27c: {  	v16 =	vcvt.f32.s32 v1;
	v1 =	vtrunc.f32 v10;
	v10 =	vmin.f32 v15, $1.270000000e+02;
	v15 =	vld [tilespmem:s31+$0x0]  }
0x27d: {  	v17 =	vtrunc.f32 v17;
	v2 =	vmin.f32 v2, $1.270000000e+02;
	v18 =	vcvt.f32.s32 v1;
	v1 =	vld [tilespmem:s31+$0xFFFFFF90]  }
0x27e: {  	vm7 =	vlt.f32 v6, $0.0e+00;
	v14 =	vcvt.f32.s32 v14;
	v19 =	vtrunc.f32 v2;
	v2 =	vld [tilespmem:s31+$0xFFFFFFB0]  }
0x27f: {  	v5 =	vld [tilespmem:s31+$0xFFFFFFA0];
	vm8 =	vlt.f32 v4, $0.0e+00;
	vm6 =	vlt.f32 v9, $0.0e+00;
	v17 =	vcvt.f32.s32 v17  }
0x280: {  	v12 =	vcvt.f32.s32 v12;
	v20 =	vand.u32 $0x7FFFFFFF, v3;
	v10 =	vtrunc.f32 v10;
	v11 =	vld.idx.msk [tilespmem:v11+s15+$0x0], $0xffff  }
0x281: {  	v6 =	vld [tilespmem:s31+$0xFFFFFFC0];
	vm2 =	vmmov vm0;
	v24 =	vmul.f32 v20, v0;
	v21 =	vcvt.f32.s32 v10  }
0x282: {  	v19 =	vcvt.f32.s32 v19;
	vm0 =	vlt.f32 v15, $0.0e+00;
	v16 =	vld.idx.msk [tilespmem:v16+s15+$0x0], $0xffff;
	v13 =	vand.u32 $0x7FFFFFFF, v1  }
0x283: {  	v4 =	vld [tilespmem:s31+$0xFFFFFFE0];
	v8 =	vmul.f32 v13, v0;
	v13 =	vand.u32 $0x7FFFFFFF, v15;
	v9 =	vand.u32 $0x7FFFFFFF, v2  }
0x284: {  	v14 =	vld.idx.msk [tilespmem:v14+s15+$0x0], $0xffff;
	v15 =	vand.u32 $0x7FFFFFFF, v5;
	v9 =	vmul.f32 v9, v0;
	v13 =	vmul.f32 v13, v0  }
0x285: {  	v22 =	vld.idx.msk [tilespmem:v17+s15+$0x0], $0xffff;
	v15 =	vmul.f32 v15, v0;
	v8 =	vmin.f32 v8, $1.270000000e+02;
	v10 =	vsub.f32 $0.0e+00, v11  }
0x286: {  	v7 =	vld.idx.msk [tilespmem:v18+s15+$0x0], $0xffff;
	v8 =	vtrunc.f32 v8;
	v17 =	vmin.f32 v9, $1.270000000e+02;
	v13 =	vmin.f32 v13, $1.270000000e+02  }
0x287: {  	v9 =	vld.idx.msk [tilespmem:v12+s15+$0x0], $0xffff;
	v15 =	vmin.f32 v15, $1.270000000e+02;
	v18 =	vsub.f32 $0.0e+00, v16;
	v12 =	vtrunc.f32 v17  }
0x288: {  	v17 =	vand.u32 $0x7FFFFFFF, v6;
	v20 =	vtrunc.f32 v13;
	v11 =	vsel vm7, v10, v11  }
0x289: {  	v13 =	vld.idx.msk [tilespmem:v21+s15+$0x0], $0xffff;
	v17 =	vmul.f32 v17, v0;
	v16 =	vsel vm8, v18, v16;
	v18 =	vand.u32 $0x7FFFFFFF, v4  }
0x28a: {  	v25 =	vsub.f32 $0.0e+00, v14;
	v26 =	vsub.f32 $0.0e+00, v22;
	[tilespmem:s30+$0xFFFFFFA0] =	vst v11;
	v11 =	vld [tilespmem:s31+$0xFFFFFFD0];
	v23 =	vmul.f32 v18, v0  }
0x28b: {  	v18 =	vmin.f32 v17, $1.270000000e+02;
	v17 =	vtrunc.f32 v15;
	v15 =	vcvt.f32.s32 v12;
	v12 =	vld.idx.msk [tilespmem:v19+s15+$0x0], $0xffff  }
0x28c: {  	v21 =	vmin.f32 v24, $1.270000000e+02;
	v10 =	vsub.f32 $0.0e+00, v7;
	v17 =	vcvt.f32.s32 v17  }
0x28d: {  	[tilespmem:s30+$0xFFFFFFB0] =	vst v16;
	v19 =	vsub.f32 $0.0e+00, v9;
	v16 =	vmin.f32 v23, $1.270000000e+02;
	v23 =	vsel vm6, v25, v14  }
0x28e: {  	s3 =	simm.s32 $0x46F0;
	s0 =	simm.s32 $0xC2F0;
	s1 =	simm.s32 $0x80;
	v14 =	vtrunc.f32 v16;
	v16 =	vtrunc.f32 v21;
	[tilespmem:s30+$0xFFFFFFC0] =	vst v23;
	v21 =	vsel vm5, v26, v22  }
.LBB2_21:
0x28f: {  	v22 =	vld [tilespmem:s3+$0x0];
	s1 =	sadd.s32 $0x80, s1;
	v23 =	vand.u32 $0x7FFFFFFF, v11;
	v20 =	vcvt.f32.s32 v20;
	v24 =	vsub.f32 $0.0e+00, v13;
	s30 =	sadd.s32 $0x200, s30  }
0x290: {  	v7 =	vsel vm2, v10, v7;
	v25 =	vld [tilespmem:s3+$0xFFFFFFB0];
	p0 =	slt.u32 s1, $0xF80;
	v23 =	vmul.f32 v23, v0;
	[tilespmem:s0+$0xFFFFFFD0] =	vst v21;
	v21 =	vsub.f32 $0.0e+00, v12  }
0x291: {  	v18 =	vtrunc.f32 v18;
	v9 =	vsel vm3, v19, v9;
	v10 =	vld [tilespmem:s3+$0xFFFFFF90];
	v13 =	vsel vm4, v24, v13;
	[tilespmem:s0+$0x0] =	vst v7  }
0x292: {  	v24 =	vcvt.f32.s32 v8;
	v19 =	vld [tilespmem:s3+$0xFFFFFFA0];
	v7 =	vmin.f32 v23, $1.270000000e+02;
	[tilespmem:s0+$0xFFFFFF90] =	vst v9;
	v8 =	vsel vm1, v21, v12  }
0x293: {  	vm2 =	vmmov vm0;
	v9 =	vcvt.f32.s32 v18;
	v12 =	vld.idx.msk [tilespmem:v17+s15+$0x0], $0xffff;
	v7 =	vtrunc.f32 v7;
	[tilespmem:s0+$0xFFFFFFF0] =	vst v8  }
0x294: {  	vm0 =	vlt.f32 v22, $0.0e+00;
	v15 =	vld.idx.msk [tilespmem:v15+s15+$0x0], $0xffff;
	v8 =	vcvt.f32.s32 v7;
	[tilespmem:s0+$0xFFFFFFE0] =	vst v13;
	s0 =	smov.u32 s30  }
0x295: {  	vm3 =	vlt.f32 v1, $0.0e+00;
	vm5 =	vlt.f32 v11, $0.0e+00;
	vm1 =	vlt.f32 v3, $0.0e+00;
	v7 =	vld.idx.msk [tilespmem:v20+s15+$0x0], $0xffff  }
0x296: {  	vm4 =	vlt.f32 v4, $0.0e+00;
	v13 =	vcvt.f32.s32 v16;
	v11 =	vand.u32 $0x7FFFFFFF, v10;
	v3 =	vld [tilespmem:s3+$0xFFFFFFF0];
	v1 =	vmovc v10  }
0x297: {  	vm7 =	vlt.f32 v5, $0.0e+00;
	vm8 =	vlt.f32 v2, $0.0e+00;
	v2 =	vmovc v25;
	v10 =	vmul.f32 v11, v0;
	v4 =	vld [tilespmem:s3+$0xFFFFFFE0];
	v5 =	vmovc v19  }
0x298: {  	vm6 =	vlt.f32 v6, $0.0e+00;
	v14 =	vcvt.f32.s32 v14;
	v11 =	vand.u32 $0x7FFFFFFF, v22;
	v6 =	vld [tilespmem:s3+$0xFFFFFFC0]  }
0x299: {  	v16 =	vand.u32 $0x7FFFFFFF, v2;
	v17 =	vsub.f32 $0.0e+00, v12;
	v10 =	vmin.f32 v10, $1.270000000e+02;
	v21 =	vld.idx.msk [tilespmem:v9+s15+$0x0], $0xffff  }
0x29a: {  	v16 =	vmul.f32 v16, v0;
	v18 =	vand.u32 $0x7FFFFFFF, v5;
	v19 =	vsub.f32 $0.0e+00, v15;
	v22 =	vld.idx.msk [tilespmem:v8+s15+$0x0], $0xffff  }
0x29b: {  	v8 =	vtrunc.f32 v10;
	v12 =	vsel vm7, v17, v12;
	v10 =	vsub.f32 $0.0e+00, v7;
	v9 =	vld.idx.msk [tilespmem:v24+s15+$0x0], $0xffff  }
0x29c: {  	v11 =	vmul.f32 v11, v0;
	v16 =	vmin.f32 v16, $1.270000000e+02;
	v17 =	vand.u32 $0x7FFFFFFF, v3;
	[tilespmem:s30+$0xFFFFFFA0] =	vst v12;
	v12 =	vld.idx.msk [tilespmem:v13+s15+$0x0], $0xffff  }
0x29d: {  	v16 =	vtrunc.f32 v16;
	v15 =	vsel vm8, v19, v15;
	v13 =	vand.u32 $0x7FFFFFFF, v6  }
0x29e: {  	v18 =	vmul.f32 v18, v0;
	v20 =	vand.u32 $0x7FFFFFFF, v4;
	v19 =	vmul.f32 v13, v0;
	[tilespmem:s30+$0xFFFFFFB0] =	vst v15;
	v13 =	vld.idx.msk [tilespmem:v14+s15+$0x0], $0xffff  }
0x29f: {  	v23 =	vmul.f32 v17, v0;
	v14 =	vmul.f32 v20, v0;
	v20 =	vmin.f32 v11, $1.270000000e+02  }
.Ltmp12:
0x2a0: {  	v15 =	vmin.f32 v18, $1.270000000e+02;
	v24 =	vsub.f32 $0.0e+00, v21;
	v18 =	vmin.f32 v19, $1.270000000e+02;
	v11 =	vld [tilespmem:s3+$0xFFFFFFD0];
	(pc) =	sbr.rel @p0 .LBB2_21-.Ltmp12, $4  }
0x2a1: {  	v17 =	vtrunc.f32 v15;
	v15 =	vcvt.f32.s32 v16;
	v25 =	vsub.f32 $0.0e+00, v22  }
0x2a2: {  	v20 =	vtrunc.f32 v20;
	v17 =	vcvt.f32.s32 v17;
	v19 =	vsub.f32 $0.0e+00, v9  }
0x2a3: {  	v16 =	vmin.f32 v23, $1.270000000e+02;
	v14 =	vmin.f32 v14, $1.270000000e+02;
	v21 =	vsel vm6, v24, v21  }
0x2a4: {  	v16 =	vtrunc.f32 v16;
	s3 =	sadd.s32 $0x200, s3;
	v14 =	vtrunc.f32 v14;
	[tilespmem:s30+$0xFFFFFFC0] =	vst v21;
	v21 =	vsel vm5, v25, v22  }
0x2a5: {  	v22 =	vand.u32 $0x7FFFFFFF, v11  }
0x2a6: {  	v22 =	vmul.f32 v22, v0  }
0x2a7: {  	v8 =	vcvt.f32.s32 v8  }
0x2a8: {  	v18 =	vtrunc.f32 v18;
	v16 =	vcvt.f32.s32 v16;
	v22 =	vmin.f32 v22, $1.270000000e+02  }
0x2a9: {  	v18 =	vcvt.f32.s32 v18;
	v22 =	vtrunc.f32 v22  }
0x2aa: {  	v22 =	vcvt.f32.s32 v22  }
0x2ab: {  	v20 =	vcvt.f32.s32 v20;
	v17 =	vld.idx.msk [tilespmem:v17+s15+$0x0], $0xffff  }
0x2ac: {  	v15 =	vld.idx.msk [tilespmem:v15+s15+$0x0], $0xffff;
	v14 =	vcvt.f32.s32 v14  }
0x2ad: {  	v8 =	vld.idx.msk [tilespmem:v8+s15+$0x0], $0xffff  }
0x2ae: {  	[tilespmem:s0+$0xFFFFFFD0] =	vst v21;
	v50 =	vsub.f32 $0.0e+00, v12;
	v7 =	vsel vm2, v10, v7;
	v57 =	vld.idx.msk [tilespmem:v16+s15+$0x0], $0xffff  }
0x2af: {  	v52 =	vsub.f32 $0.0e+00, v13;
	v9 =	vsel vm3, v19, v9;
	[tilespmem:s0+$0x0] =	vst v7;
	v18 =	vld.idx.msk [tilespmem:v18+s15+$0x0], $0xffff  }
0x2b0: {  	[tilespmem:s0+$0xFFFFFF90] =	vst v9;
	v54 =	vsel vm1, v50, v12;
	v55 =	vsub.f32 $0.0e+00, v17;
	v51 =	vld.idx.msk [tilespmem:v22+s15+$0x0], $0xffff  }
0x2b1: {  	vm9 =	vlt.f32 v5, $0.0e+00;
	v13 =	vsel vm4, v52, v13;
	[tilespmem:s0+$0xFFFFFFF0] =	vst v54;
	v56 =	vsub.f32 $0.0e+00, v15;
	v53 =	vld.idx.msk [tilespmem:v20+s15+$0x0], $0xffff  }
0x2b2: {  	s1 =	sadd.s32 $0x200, s30;
	vm10 =	vlt.f32 v2, $0.0e+00;
	[tilespmem:s0+$0xFFFFFFE0] =	vst v13;
	v58 =	vld.idx.msk [tilespmem:v14+s15+$0x0], $0xffff;
	v2 =	vsel vm9, v55, v17;
	v62 =	vsub.f32 $0.0e+00, v8  }
0x2b3: {  	vm13 =	vlt.f32 v1, $0.0e+00;
	[tilespmem:s1+$0xFFFFFFA0] =	vst v2;
	v2 =	vsel vm10, v56, v15;
	v1 =	vsub.f32 $0.0e+00, v57  }
0x2b4: {  	vm14 =	vlt.f32 v3, $0.0e+00;
	[tilespmem:s1+$0xFFFFFFB0] =	vst v2;
	v59 =	vsub.f32 $0.0e+00, v18;
	v63 =	vsel vm13, v62, v8  }
0x2b5: {  	vm11 =	vlt.f32 v6, $0.0e+00;
	v1 =	vsel vm14, v1, v57;
	[tilespmem:s1+$0xFFFFFF90] =	vst v63;
	v60 =	vsub.f32 $0.0e+00, v51  }
0x2b6: {  	vm12 =	vlt.f32 v11, $0.0e+00;
	p0 =	seq.s32 s28, $0x1F;
	v61 =	vsub.f32 $0.0e+00, v53;
	v2 =	vsel vm11, v59, v18;
	[tilespmem:s1+$0xFFFFFFF0] =	vst v1  }
.Ltmp13:
0x2b7: {  	vm0 =	vmmov vm0;
	v3 =	vsub.f32 $0.0e+00, v58;
	[tilespmem:s1+$0xFFFFFFC0] =	vst v2;
	v2 =	vsel vm12, v60, v51;
	(pc) =	sbr.rel @p0 .LBB2_24-.Ltmp13, $4  }
0x2b8: {  	vm15 =	vlt.f32 v4, $0.0e+00;
	[tilespmem:s1+$0xFFFFFFD0] =	vst v2;
	v2 =	vsel vm0, v61, v53  }
0x2b9: {  	s31 =	sor.u32 s29, s4;
	[tilespmem:s1+$0x0] =	vst v2;
	v2 =	vsel vm15, v3, v58  }
0x2ba: {  	s0 =	sadd.s32 s31, s11;
	[tilespmem:s1+$0xFFFFFFE0] =	vst v2  }
0x2bb: {  	[hbm4b:s0+s16] =	stream.strided.scatter [tilespmem:s24], [sflag:$0x4], $0x4000, s17, s16, $0x38;
	[tilespmem:$0x10100] =	vst v63  }
.Ltmp14:
0x2bc: {  	(pc) =	sbr.rel .LBB2_2-.Ltmp14, $3  }
0x2bd: {  	_ =	sdelay $0x1  }
0x2be: {  	s0 =	sadd.s32 s29, s12;
	s28 =	sadd.s32 $0x1, s28  }
0x2bf: {  	[tilespmem:s19], [sflag:$0x2] =	stream.strided.gather [hbm4b:s0+s16], $0x4000, s17, s16, $0x38;
	[tilespmem:$0x10100] =	vst v63  }
.LBB2_25:
0x2c0: {  	_ =	sfence.sel $0x180000  }
0x2c1: {  	[bflag:$0x0] =	sbarrier.arrive $0xFFFF  }
0x2c2: {  	_ =	strace $0x90000047  }
0x2c3: {  	s0 =	stileid.u32;
	[bflag:$0x2] =	sbarrier.arrive $0xFFFF  }
0x2c4: {  	p0 =	sne.s32 s0, $0x0;
	s0 =	rddreg [dreg:$0x3]  }
0x2c5: {  	s0 =	sadd.s32 @!p0 $0x100000, s0  }
0x2c6: {  	[sflag:s0] =	ssyncadd.tile.s32 @!p0 $0x1;
	_ =	shalt  }
.Lfunc_end2:
_tile_overlayer_lowered:
.L_overlay_start_2:
0x2c7: {  	(tag) =	ssettag $0x2  }
0x2c8: {  	s0 =	rddreg [dreg:$0x0];
	s2 =	stileid.u32  }
0x2c9: {  	s1 =	rddreg [dreg:$0x1];
	p0 =	sne.s32 s2, $0x0  }
0x2ca: {  	s3 =	rddreg [dreg:$0x2];
	[bflag:$0x3] =	sbarrier.arrive $0xFFFF;
	s2 =	simm.s32 @!p0 $0x1C05  }
0x2cb: {  	[timem:s3], [sflag:s2] =	dma.local @!p0 [hbm:s0], s1  }
0x2cc: {  	s0 =	simm.s32 @!p0 $0x5  }
0x2cd: {  	_ =	swait.ge @!p0 [sflag:s0], s1  }
0x2ce: {  	s1 =	ssub.s32 @!p0 $0x0, s1;
	[sflag:s0] =	ssyncset.done @!p0 $0x0  }
0x2cf: {  	[sflag:s0] =	ssyncadd.s32 @!p0 s1  }
0x2d0: {  	[bflag:$0x3] =	sbarrier.arrive $0xFFFF  }
0x2d1: {  	_ =	shalt  }

</sc_bundles>
